<compile_context>
chip_gen: v7x
topology: tpu7x:2x2x1
jax: 0.10.2.dev20260603
libtpu: 0.0.44.dev20260713+nightly
codegen_flags: <defaults>
</compile_context>

<pallas_src>
import jax
import jax.numpy as jnp
from jax import lax
from jax.experimental import pallas as pl
from jax.experimental.pallas import tpu as pltpu
from jax.experimental.pallas import tpu_sc as plsc

NN = 10000
EE = 320000
DD = 128
NC = 2
NS = 16
NW = NC * NS
NPAD = 10240
RPT = NPAD // NS
DUMP = NN
EPAD = NW * 10240
B = 128
K1_BATCHES = EPAD // NW // B
DEGW = 128

_MESH = plsc.VectorSubcoreMesh(core_axis_name="c", subcore_axis_name="s",
                               num_cores=NC, num_subcores=NS)


def _deg_body(dst_hbm, e0_hbm, zdeg_hbm, deg_out, deg_sp, idx_v, val_v):
    c = lax.axis_index("c")
    s = lax.axis_index("s")
    w = c * NS + s
    pltpu.sync_copy(zdeg_hbm, deg_sp.at[pl.ds(s * RPT, RPT)])
    pltpu.sync_copy(e0_hbm, val_v)
    pltpu.sync_copy(dst_hbm.at[w], idx_v)
    plsc.subcore_barrier()

    def body(j, carry):
        pltpu.sync_copy(val_v, deg_sp.at[idx_v.at[j]], add=True)
        return carry

    lax.fori_loop(0, K1_BATCHES, body, 0)
    plsc.subcore_barrier()
    pltpu.sync_copy(deg_sp.at[pl.ds(s * RPT, RPT)], deg_out.at[w])


def _deg_call(dst_k1, e0, zdeg):
    f = pl.kernel(
        _deg_body,
        out_type=jax.ShapeDtypeStruct((NW, RPT, DEGW), jnp.float32),
        mesh=_MESH,
        scratch_types=[
            pltpu.VMEM_SHARED((NPAD, DEGW), jnp.float32),
            pltpu.VMEM((K1_BATCHES, B), jnp.int32),
            pltpu.VMEM((B, DEGW), jnp.float32),
        ],
        name="deg",
    )
    return f(dst_k1, e0, zdeg)


BA = 80
NB = 4
LOOK = 2
CHUNK = 32
EDGES_PER_TILE = EPAD // NS
NCH = EDGES_PER_TILE // (CHUNK * BA)


def _agg_body(src_hbm, dst_hbm, ys_hbm, zrows_hbm, acc_out,
              acc_sp, src_c, dst_c, rows4, sem_g, sem_s):
    c = lax.axis_index("c")
    s = lax.axis_index("s")
    w = c * NS + s
    pltpu.sync_copy(zrows_hbm, acc_sp.at[pl.ds(s * RPT, RPT)])
    plsc.subcore_barrier()

    def chunk_body(ko, carry):
        pltpu.sync_copy(src_hbm.at[w * NCH + ko], src_c)
        pltpu.sync_copy(dst_hbm.at[s * NCH + ko], dst_c)
        for p in range(LOOK):
            pltpu.async_copy(ys_hbm.at[src_c.at[p]], rows4.at[p], sem_g)

        def group(q, carry2):
            for t in range(NB):
                jj = NB * q + t
                b_cur = t
                b_nxt = (t + LOOK) % NB

                @pl.when(jj >= NB - LOOK)
                def _():
                    pltpu.make_async_copy(rows4.at[b_nxt],
                                          acc_sp.at[dst_c.at[jj - (NB - LOOK)]],
                                          sem_s).wait()

                @pl.when(jj + LOOK < CHUNK)
                def _():
                    pltpu.async_copy(ys_hbm.at[src_c.at[jj + LOOK]],
                                     rows4.at[b_nxt], sem_g)

                pltpu.make_async_copy(ys_hbm.at[src_c.at[jj]],
                                      rows4.at[b_cur], sem_g).wait()
                pltpu.async_copy(rows4.at[b_cur], acc_sp.at[dst_c.at[jj]],
                                 sem_s, add=True)
            return carry2

        lax.fori_loop(0, CHUNK // NB, group, 0)
        for r in range(NB - LOOK, 0, -1):
            pltpu.make_async_copy(rows4.at[(CHUNK - r) % NB],
                                  acc_sp.at[dst_c.at[CHUNK - r]],
                                  sem_s).wait()
        return carry

    lax.fori_loop(0, NCH, chunk_body, 0)
    plsc.subcore_barrier()
    pltpu.sync_copy(acc_sp.at[pl.ds(s * RPT, RPT)], acc_out.at[w])


def _agg_call(src_k3, dst_k3, ys_all, zrows):
    f = pl.kernel(
        _agg_body,
        out_type=jax.ShapeDtypeStruct((NW, RPT, DD), jnp.float32),
        mesh=_MESH,
        scratch_types=[
            pltpu.VMEM_SHARED((NPAD, DD), jnp.float32),
            pltpu.VMEM((CHUNK, BA), jnp.int32),
            pltpu.VMEM((CHUNK, BA), jnp.int32),
            pltpu.VMEM((NB, BA, DD), jnp.float32),
            pltpu.SemaphoreType.DMA,
            pltpu.SemaphoreType.DMA,
        ],
        name="agg",
    )
    return f(src_k3, dst_k3, ys_all, zrows)


RBK = RPT
NBK = 2 * NPAD // RBK


def _mm_body(x1_ref, x2_ref, w_ref, y_ref):
    j = pl.program_id(0)
    x = jnp.where(j < NBK // 2, x1_ref[...], x2_ref[...])
    y_ref[...] = jnp.dot(x, w_ref[...], preferred_element_type=jnp.float32)


def _mm_call(seq1, seq2, W_gcn):
    nxb = NBK // 2 - 1
    return pl.pallas_call(
        _mm_body,
        grid=(NBK,),
        in_specs=[
            pl.BlockSpec((RBK, DD), lambda j: (lax.min(j, nxb), 0)),
            pl.BlockSpec((RBK, DD),
                         lambda j: (lax.min(lax.max(j - (nxb + 1), 0), nxb), 0)),
            pl.BlockSpec((DD, DD), lambda j: (0, 0)),
        ],
        out_specs=pl.BlockSpec((RBK, DD), lambda j: (j, 0)),
        out_shape=jax.ShapeDtypeStruct((2 * NPAD, DD), jnp.float32),
    )(seq1, seq2, W_gcn)


def _scale_body(y_ref, degT_ref, ys_ref):
    deg = degT_ref[:, 0:1] + degT_ref[:, 1:2] + 1.0
    dinv = lax.rsqrt(jnp.maximum(deg, 1e-12))
    ys_ref[...] = y_ref[...] * dinv


def _scale_call(y_raw, degT):
    return pl.pallas_call(
        _scale_body,
        grid=(NBK,),
        in_specs=[
            pl.BlockSpec((RBK, DD), lambda j: (j, 0)),
            pl.BlockSpec((RBK, 2), lambda j: (lax.rem(j, NBK // 2), 0)),
        ],
        out_specs=pl.BlockSpec((RBK, DD), lambda j: (j, 0)),
        out_shape=jax.ShapeDtypeStruct((2 * NPAD, DD), jnp.float32),
    )(y_raw, degT)


def _epi_body(acc_ref, ys_ref, degT_ref, b_ref, a_ref, wbt_ref, bb_ref,
              s_ref, hbuf, colsum):
    j = pl.program_id(0)

    @pl.when(j < NBK)
    def _():
        deg = degT_ref[:, 0:1] + degT_ref[:, 1:2] + 1.0
        dinv = lax.rsqrt(jnp.maximum(deg, 1e-12))
        g = (acc_ref[...] + ys_ref[...]) * dinv + b_ref[...]
        a = a_ref[0, 0]
        h = jnp.where(g > 0, g, a * g)
        hbuf[pl.ds(j * RBK, RBK)] = h

        @pl.when(j < NBK // 2)
        def _():
            rows = j * RBK + lax.broadcasted_iota(jnp.int32, (RBK, 1), 0)
            part = jnp.sum(jnp.where(rows < NN, h, 0.0), axis=0,
                           keepdims=True)

            @pl.when(j == 0)
            def _():
                colsum[...] = part

            @pl.when(j > 0)
            def _():
                colsum[...] = colsum[...] + part

    @pl.when(j >= NBK)
    def _():
        jj = j - NBK
        cs = colsum[...] * (1.0 / NN)
        cvec = 1.0 / (1.0 + jnp.exp(-cs))
        v = jnp.dot(cvec, wbt_ref[...], preferred_element_type=jnp.float32)
        h = hbuf[pl.ds(jj * RBK, RBK)]
        s_ref[...] = jnp.sum(h * v, axis=1, keepdims=True) + bb_ref[...]


def _epi_call(acc_all, ys_all, degT, b_gcn, prelu_a, wbilT, b_bil):
    nb1 = NBK - 1
    return pl.pallas_call(
        _epi_body,
        grid=(2 * NBK,),
        in_specs=[
            pl.BlockSpec((RBK, DD), lambda j: (lax.min(j, nb1), 0)),
            pl.BlockSpec((RBK, DD), lambda j: (lax.min(j, nb1), 0)),
            pl.BlockSpec((RBK, 2), lambda j: (lax.rem(j, NBK // 2), 0)),
            pl.BlockSpec((1, DD), lambda j: (0, 0)),
            pl.BlockSpec((1, 1), lambda j: (0, 0)),
            pl.BlockSpec((DD, DD), lambda j: (0, 0)),
            pl.BlockSpec((1, 1), lambda j: (0, 0)),
        ],
        out_specs=pl.BlockSpec((RBK, 1), lambda j: (lax.rem(j, NBK), 0)),
        out_shape=jax.ShapeDtypeStruct((2 * NPAD, 1), jnp.float32),
        scratch_shapes=[
            pltpu.VMEM((2 * NPAD, DD), jnp.float32),
            pltpu.VMEM((1, DD), jnp.float32),
        ],
    )(acc_all, ys_all, degT, b_gcn, prelu_a, wbilT, b_bil)


def kernel(seq1, seq2, adj, W_gcn, b_gcn, prelu_a, W_bil, b_bil):
    src = adj[0].astype(jnp.int32)
    dst = adj[1].astype(jnp.int32)
    pad_e = EPAD - EE
    srcp = jnp.concatenate([src, jnp.zeros((pad_e,), jnp.int32)])
    dstp = jnp.concatenate([dst, jnp.full((pad_e,), DUMP, jnp.int32)])

    dst_k1 = dstp.reshape(NW, K1_BATCHES, B)
    src_k3 = (srcp.reshape(1, NS, EDGES_PER_TILE)
              + (jnp.arange(NC, dtype=jnp.int32) * NPAD).reshape(NC, 1, 1)
              ).reshape(NW * NCH, CHUNK, BA)
    dst_k3 = dstp.reshape(NS * NCH, CHUNK, BA)

    e0 = jnp.zeros((B, DEGW), jnp.float32).at[:, 0].set(1.0)
    zdeg = jnp.zeros((RPT, DEGW), jnp.float32)
    zrows = jnp.zeros((RPT, DD), jnp.float32)

    deg_out = _deg_call(dst_k1, e0, zdeg)
    y_raw = _mm_call(seq1, seq2, W_gcn)

    degT = deg_out[:, :, 0].reshape(NC, NPAD).T
    ys_all = _scale_call(y_raw, degT)

    acc_out = _agg_call(src_k3, dst_k3, ys_all, zrows)
    acc_all = acc_out.reshape(2 * NPAD, DD)

    s_all = _epi_call(acc_all, ys_all, degT,
                      b_gcn.reshape(1, DD), prelu_a.reshape(1, 1),
                      W_bil[0].T, b_bil.reshape(1, 1))

    logits = jnp.concatenate([s_all[:NN, 0], s_all[NPAD:NPAD + NN, 0]])
    return logits[None, :]

# --- scband reference (transcript-rebuilt; emitter-appended) ---
"""Pipeline reference for scband-dgi-23132693856745 (READ-ONLY COPY).

The authoritative reference and input builder live on the scoring server;
editing this copy changes nothing except your own understanding.
"""

import jax, jax.numpy as jnp
import numpy as np

N = 10000
E = 320000
D_IN = 128
D_H = 128


def setup_inputs(seed: int = 0) -> dict:
    key = jax.random.key(seed)
    ks = jax.random.split(key, 8)
    seq1 = jax.random.normal(ks[0], (N, D_IN), dtype=jnp.float32)
    seq2 = jax.random.normal(ks[1], (N, D_IN), dtype=jnp.float32)
    adj = jax.random.randint(ks[2], (2, E), 0, N, dtype=jnp.int32)
    W_gcn = jax.random.normal(ks[3], (D_IN, D_H), dtype=jnp.float32) / np.sqrt(D_IN)
    b_gcn = jnp.zeros((D_H,), dtype=jnp.float32)
    prelu_a = jnp.full((1,), 0.25, dtype=jnp.float32)
    W_bil = jax.random.normal(ks[4], (1, D_H, D_H), dtype=jnp.float32) / np.sqrt(D_H)
    b_bil = jnp.zeros((1,), dtype=jnp.float32)
    return {"seq1": seq1, "seq2": seq2, "adj": adj, "W_gcn": W_gcn, "b_gcn": b_gcn,
            "prelu_a": prelu_a, "W_bil": W_bil, "b_bil": b_bil}


def _gcn(x, src, dst, W, b):
    # PyG-style GCNConv: x' = D^{-1/2} (A + I) D^{-1/2} (X W) + b
    n = x.shape[0]
    x = x @ W
    loop = jnp.arange(n, dtype=src.dtype)
    src_all = jnp.concatenate([src, loop])
    dst_all = jnp.concatenate([dst, loop])
    deg = jax.ops.segment_sum(jnp.ones(src_all.shape, dtype=x.dtype), dst_all, num_segments=n)
    dinv = jax.lax.rsqrt(jnp.maximum(deg, 1e-12))
    norm = dinv[src_all] * dinv[dst_all]
    msg = jnp.take(x, src_all, axis=0) * norm[:, None]
    out = jax.ops.segment_sum(msg, dst_all, num_segments=n)
    return out + b


def _prelu(x, a):
    return jnp.where(x > 0, x, a * x)


def reference(seq1, seq2, adj, W_gcn, b_gcn, prelu_a, W_bil, b_bil):
    src, dst = adj[0], adj[1]
    h_1 = _prelu(_gcn(seq1, src, dst, W_gcn, b_gcn), prelu_a)
    h_2 = _prelu(_gcn(seq2, src, dst, W_gcn, b_gcn), prelu_a)
    h_1 = h_1[None]  # [1, N, D_H]
    h_2 = h_2[None]
    # AvgReadout (msk=None): mean over node dim
    c = jnp.mean(h_1, axis=1)  # [1, D_H]
    c = jax.nn.sigmoid(c)
    # Discriminator: nn.Bilinear(D_H, D_H, 1) applied to (h, c_expanded)
    c_x = jnp.broadcast_to(c[:, None, :], h_1.shape)
    sc_1 = jnp.einsum('bnh,ohk,bnk->bno', h_1, W_bil, c_x) + b_bil
    sc_2 = jnp.einsum('bnh,ohk,bnk->bno', h_2, W_bil, c_x) + b_bil
    logits = jnp.concatenate([sc_1[..., 0], sc_2[..., 0]], axis=1)  # [1, 2N]
    return logits

if __name__ == "__main__":
    import jax
    _d = setup_inputs()
    print(jax.jit(kernel)(*tuple(_d.values())))

</pallas_src>

<mosaic_0001>
#map = affine_map<(d0, d1) -> (0, 0, 0)>
#map1 = affine_map<(d0, d1) -> (0, 0)>
module attributes {stable_mosaic.version = 14 : i64} {
  func.func @deg(%arg0: i32, %arg1: i32, %arg2: memref<32x80x128xi32, #tpu.memory_space<hbm>>, %arg3: memref<128x128xf32, #tpu.memory_space<hbm>>, %arg4: memref<640x128xf32, #tpu.memory_space<hbm>>, %arg5: memref<32x640x128xf32, #tpu.memory_space<hbm>>, %arg6: memref<10240x128xf32, #tpu.memory_space<vmem_shared>>, %arg7: memref<80x128xi32, #tpu.memory_space<vmem>>, %arg8: memref<128x128xf32, #tpu.memory_space<vmem>>) attributes {dimension_semantics = [#tpu.dimension_semantics<core_parallel>, #tpu.dimension_semantics<subcore_parallel>], iteration_bounds = array<i64: 2, 16>, scalar_prefetch = 0 : i64, scratch_operands = 3 : i64, tpu.core_type = #tpu.core_type<sc_vector_subcore>, window_params = [{transform_indices = #map}, {transform_indices = #map1}, {transform_indices = #map1}, {transform_indices = #map}]} {
    %mul3A = arith.constant 16 : i32
    %mul3A_0 = arith.muli %arg0, %mul3A : i32
    %add3A = arith.addi %mul3A_0, %arg1 : i32
    %mul3A_1 = arith.constant 640 : i32
    %mul3A_2 = arith.muli %arg1, %mul3A_1 : i32
    "tpu.region"() ({
      %run_scoped3A = tpu.sem_alloc : memref<!tpu.dma_semaphore, #tpu.memory_space<semaphore_mem>>
      %dma_start3A = arith.constant 0 : i32
      %dma_start3A_11 = tpu.memref_slice %arg6[%mul3A_2, %dma_start3A] : memref<10240x128xf32, #tpu.memory_space<vmem_shared>> -> memref<640x128xf32, #tpu.memory_space<vmem_shared>>
      tpu.enqueue_dma source(%arg4 : memref<640x128xf32, #tpu.memory_space<hbm>>) target(%dma_start3A_11 : memref<640x128xf32, #tpu.memory_space<vmem_shared>>) target_semaphore(%run_scoped3A : memref<!tpu.dma_semaphore, #tpu.memory_space<semaphore_mem>>)
      %dma_wait3A = arith.constant 0 : i32
      %dma_wait3A_12 = tpu.memref_slice %arg6[%mul3A_2, %dma_wait3A] : memref<10240x128xf32, #tpu.memory_space<vmem_shared>> -> memref<640x128xf32, #tpu.memory_space<vmem_shared>>
      tpu.wait_dma2 semaphore(%run_scoped3A : memref<!tpu.dma_semaphore, #tpu.memory_space<semaphore_mem>>) src(%arg4 : memref<640x128xf32, #tpu.memory_space<hbm>>) dst(%dma_wait3A_12 : memref<640x128xf32, #tpu.memory_space<vmem_shared>>)
      tpu.yield
    }) : () -> ()
    "tpu.region"() ({
      %run_scoped3A = tpu.sem_alloc : memref<!tpu.dma_semaphore, #tpu.memory_space<semaphore_mem>>
      tpu.enqueue_dma source(%arg3 : memref<128x128xf32, #tpu.memory_space<hbm>>) target(%arg8 : memref<128x128xf32, #tpu.memory_space<vmem>>) target_semaphore(%run_scoped3A : memref<!tpu.dma_semaphore, #tpu.memory_space<semaphore_mem>>)
      tpu.wait_dma2 semaphore(%run_scoped3A : memref<!tpu.dma_semaphore, #tpu.memory_space<semaphore_mem>>) src(%arg3 : memref<128x128xf32, #tpu.memory_space<hbm>>) dst(%arg8 : memref<128x128xf32, #tpu.memory_space<vmem>>)
      tpu.yield
    }) : () -> ()
    "tpu.region"() ({
      %run_scoped3A = tpu.sem_alloc : memref<!tpu.dma_semaphore, #tpu.memory_space<semaphore_mem>>
      %dma_start3A = arith.constant 0 : i32
      %dma_start3A_11 = arith.constant 0 : i32
      %dma_start3A_12 = tpu.memref_slice %arg2[%add3A, %dma_start3A, %dma_start3A_11] : memref<32x80x128xi32, #tpu.memory_space<hbm>> -> memref<1x80x128xi32, #tpu.memory_space<hbm>>
      %dma_start3A_13 = tpu.memref_squeeze %dma_start3A_12 : memref<1x80x128xi32, #tpu.memory_space<hbm>> -> memref<80x128xi32, #tpu.memory_space<hbm>>
      %dma_start3A_14 = arith.constant 0 : i32
      %dma_start3A_15 = arith.constant 0 : i32
      %dma_start3A_16 = tpu.memref_slice %arg2[%add3A, %dma_start3A_14, %dma_start3A_15] : memref<32x80x128xi32, #tpu.memory_space<hbm>> -> memref<1x80x128xi32, #tpu.memory_space<hbm>>
      %dma_start3A_17 = tpu.memref_squeeze %dma_start3A_16 : memref<1x80x128xi32, #tpu.memory_space<hbm>> -> memref<80x128xi32, #tpu.memory_space<hbm>>
      tpu.enqueue_dma source(%dma_start3A_17 : memref<80x128xi32, #tpu.memory_space<hbm>>) target(%arg7 : memref<80x128xi32, #tpu.memory_space<vmem>>) target_semaphore(%run_scoped3A : memref<!tpu.dma_semaphore, #tpu.memory_space<semaphore_mem>>)
      %dma_wait3A = arith.constant 0 : i32
      %dma_wait3A_18 = arith.constant 0 : i32
      %dma_wait3A_19 = tpu.memref_slice %arg2[%add3A, %dma_wait3A, %dma_wait3A_18] : memref<32x80x128xi32, #tpu.memory_space<hbm>> -> memref<1x80x128xi32, #tpu.memory_space<hbm>>
      %dma_wait3A_20 = tpu.memref_squeeze %dma_wait3A_19 : memref<1x80x128xi32, #tpu.memory_space<hbm>> -> memref<80x128xi32, #tpu.memory_space<hbm>>
      %dma_wait3A_21 = arith.constant 0 : i32
      %dma_wait3A_22 = arith.constant 0 : i32
      %dma_wait3A_23 = tpu.memref_slice %arg2[%add3A, %dma_wait3A_21, %dma_wait3A_22] : memref<32x80x128xi32, #tpu.memory_space<hbm>> -> memref<1x80x128xi32, #tpu.memory_space<hbm>>
      %dma_wait3A_24 = tpu.memref_squeeze %dma_wait3A_23 : memref<1x80x128xi32, #tpu.memory_space<hbm>> -> memref<80x128xi32, #tpu.memory_space<hbm>>
      tpu.wait_dma2 semaphore(%run_scoped3A : memref<!tpu.dma_semaphore, #tpu.memory_space<semaphore_mem>>) src(%dma_wait3A_24 : memref<80x128xi32, #tpu.memory_space<hbm>>) dst(%arg7 : memref<80x128xi32, #tpu.memory_space<vmem>>)
      tpu.yield
    }) : () -> ()
    %barrier3A = arith.constant 0 : index
    tpu.barrier barrier_id(%barrier3A)
    %scan3A = arith.constant 0 : i32
    %scan3A_3 = arith.constant 0 : i32
    %scan3A_4 = arith.constant 80 : i32
    %scan3A_5 = arith.addi %scan3A_3, %scan3A_4 : i32
    %scan3A_6 = arith.constant 1 : i32
    scf.for %scan3A_11 = %scan3A_3 to %scan3A_5 step %scan3A_6  : i32 {
      "tpu.region"() ({
        %run_scoped3A = tpu.sem_alloc : memref<!tpu.dma_semaphore, #tpu.memory_space<semaphore_mem>>
        %dma_start3A = arith.constant 0 : i32
        %dma_start3A_12 = tpu.memref_slice %arg7[%scan3A_11, %dma_start3A] : memref<80x128xi32, #tpu.memory_space<vmem>> -> memref<1x128xi32, #tpu.memory_space<vmem>>
        %dma_start3A_13 = tpu.memref_squeeze %dma_start3A_12 : memref<1x128xi32, #tpu.memory_space<vmem>> -> memref<128xi32, #tpu.memory_space<vmem>>
        %dma_start3A_14 = arith.constant 0 : i32
        %dma_start3A_15 = arith.constant 0 : i32
        %dma_start3A_16 = tpu.memref_slice %arg6[%dma_start3A_14, %dma_start3A_15] : memref<10240x128xf32, #tpu.memory_space<vmem_shared>> -> memref<10240x128xf32, #tpu.memory_space<vmem_shared>>
        tpu.enqueue_indirect_dma source(%arg8 : memref<128x128xf32, #tpu.memory_space<vmem>>) target(%dma_start3A_16 : memref<10240x128xf32, #tpu.memory_space<vmem_shared>>) offsets(%dma_start3A_13 : memref<128xi32, #tpu.memory_space<vmem>>) semaphore(%run_scoped3A : memref<!tpu.dma_semaphore, #tpu.memory_space<semaphore_mem>>) {add = true}
        %dma_wait3A = arith.constant 0 : i32
        %dma_wait3A_17 = tpu.memref_slice %arg7[%scan3A_11, %dma_wait3A] : memref<80x128xi32, #tpu.memory_space<vmem>> -> memref<1x128xi32, #tpu.memory_space<vmem>>
        %dma_wait3A_18 = tpu.memref_squeeze %dma_wait3A_17 : memref<1x128xi32, #tpu.memory_space<vmem>> -> memref<128xi32, #tpu.memory_space<vmem>>
        %dma_wait3A_19 = arith.constant 0 : i32
        %dma_wait3A_20 = arith.constant 0 : i32
        %dma_wait3A_21 = tpu.memref_slice %arg6[%dma_wait3A_19, %dma_wait3A_20] : memref<10240x128xf32, #tpu.memory_space<vmem_shared>> -> memref<10240x128xf32, #tpu.memory_space<vmem_shared>>
        tpu.wait_indirect_dma semaphore(%run_scoped3A : memref<!tpu.dma_semaphore, #tpu.memory_space<semaphore_mem>>) src(%arg8 : memref<128x128xf32, #tpu.memory_space<vmem>>) dst(%dma_wait3A_21 : memref<10240x128xf32, #tpu.memory_space<vmem_shared>>)
        tpu.yield
      }) : () -> ()
    }
    %scan3A_7 = arith.constant 80 : i32
    %barrier3A_8 = arith.constant 0 : index
    tpu.barrier barrier_id(%barrier3A_8)
    %mul3A_9 = arith.constant 640 : i32
    %mul3A_10 = arith.muli %arg1, %mul3A_9 : i32
    "tpu.region"() ({
      %run_scoped3A = tpu.sem_alloc : memref<!tpu.dma_semaphore, #tpu.memory_space<semaphore_mem>>
      %dma_start3A = arith.constant 0 : i32
      %dma_start3A_11 = arith.constant 0 : i32
      %dma_start3A_12 = tpu.memref_slice %arg5[%add3A, %dma_start3A, %dma_start3A_11] : memref<32x640x128xf32, #tpu.memory_space<hbm>> -> memref<1x640x128xf32, #tpu.memory_space<hbm>>
      %dma_start3A_13 = tpu.memref_squeeze %dma_start3A_12 : memref<1x640x128xf32, #tpu.memory_space<hbm>> -> memref<640x128xf32, #tpu.memory_space<hbm>>
      %dma_start3A_14 = arith.constant 0 : i32
      %dma_start3A_15 = tpu.memref_slice %arg6[%mul3A_10, %dma_start3A_14] : memref<10240x128xf32, #tpu.memory_space<vmem_shared>> -> memref<640x128xf32, #tpu.memory_space<vmem_shared>>
      tpu.enqueue_dma source(%dma_start3A_15 : memref<640x128xf32, #tpu.memory_space<vmem_shared>>) target(%dma_start3A_13 : memref<640x128xf32, #tpu.memory_space<hbm>>) target_semaphore(%run_scoped3A : memref<!tpu.dma_semaphore, #tpu.memory_space<semaphore_mem>>)
      %dma_wait3A = arith.constant 0 : i32
      %dma_wait3A_16 = arith.constant 0 : i32
      %dma_wait3A_17 = tpu.memref_slice %arg5[%add3A, %dma_wait3A, %dma_wait3A_16] : memref<32x640x128xf32, #tpu.memory_space<hbm>> -> memref<1x640x128xf32, #tpu.memory_space<hbm>>
      %dma_wait3A_18 = tpu.memref_squeeze %dma_wait3A_17 : memref<1x640x128xf32, #tpu.memory_space<hbm>> -> memref<640x128xf32, #tpu.memory_space<hbm>>
      %dma_wait3A_19 = arith.constant 0 : i32
      %dma_wait3A_20 = tpu.memref_slice %arg6[%mul3A_10, %dma_wait3A_19] : memref<10240x128xf32, #tpu.memory_space<vmem_shared>> -> memref<640x128xf32, #tpu.memory_space<vmem_shared>>
      tpu.wait_dma2 semaphore(%run_scoped3A : memref<!tpu.dma_semaphore, #tpu.memory_space<semaphore_mem>>) src(%dma_wait3A_20 : memref<640x128xf32, #tpu.memory_space<vmem_shared>>) dst(%dma_wait3A_18 : memref<640x128xf32, #tpu.memory_space<hbm>>)
      tpu.yield
    }) : () -> ()
    return
  }
}

#map = affine_map<(d0, d1) -> (0, 0, 0)>
#map1 = affine_map<(d0, d1) -> (0, 0)>
module attributes {stable_mosaic.version = 14 : i64} {
  func.func @agg(%arg0: i32, %arg1: i32, %arg2: memref<256x32x80xi32, #tpu.memory_space<hbm>>, %arg3: memref<128x32x80xi32, #tpu.memory_space<hbm>>, %arg4: memref<20480x128xf32, #tpu.memory_space<hbm>>, %arg5: memref<640x128xf32, #tpu.memory_space<hbm>>, %arg6: memref<32x640x128xf32, #tpu.memory_space<hbm>>, %arg7: memref<10240x128xf32, #tpu.memory_space<vmem_shared>>, %arg8: memref<32x80xi32, #tpu.memory_space<vmem>>, %arg9: memref<32x80xi32, #tpu.memory_space<vmem>>, %arg10: memref<4x80x128xf32, #tpu.memory_space<vmem>>, %arg11: memref<!tpu.dma_semaphore, #tpu.memory_space<semaphore_mem>>, %arg12: memref<!tpu.dma_semaphore, #tpu.memory_space<semaphore_mem>>) attributes {dimension_semantics = [#tpu.dimension_semantics<core_parallel>, #tpu.dimension_semantics<subcore_parallel>], iteration_bounds = array<i64: 2, 16>, scalar_prefetch = 0 : i64, scratch_operands = 6 : i64, tpu.core_type = #tpu.core_type<sc_vector_subcore>, window_params = [{transform_indices = #map}, {transform_indices = #map}, {transform_indices = #map1}, {transform_indices = #map1}, {transform_indices = #map}]} {
    %mul3A = arith.constant 16 : i32
    %mul3A_0 = arith.muli %arg0, %mul3A : i32
    %add3A = arith.addi %mul3A_0, %arg1 : i32
    %mul3A_1 = arith.constant 640 : i32
    %mul3A_2 = arith.muli %arg1, %mul3A_1 : i32
    "tpu.region"() ({
      %run_scoped3A = tpu.sem_alloc : memref<!tpu.dma_semaphore, #tpu.memory_space<semaphore_mem>>
      %dma_start3A = arith.constant 0 : i32
      %dma_start3A_11 = tpu.memref_slice %arg7[%mul3A_2, %dma_start3A] : memref<10240x128xf32, #tpu.memory_space<vmem_shared>> -> memref<640x128xf32, #tpu.memory_space<vmem_shared>>
      tpu.enqueue_dma source(%arg5 : memref<640x128xf32, #tpu.memory_space<hbm>>) target(%dma_start3A_11 : memref<640x128xf32, #tpu.memory_space<vmem_shared>>) target_semaphore(%run_scoped3A : memref<!tpu.dma_semaphore, #tpu.memory_space<semaphore_mem>>)
      %dma_wait3A = arith.constant 0 : i32
      %dma_wait3A_12 = tpu.memref_slice %arg7[%mul3A_2, %dma_wait3A] : memref<10240x128xf32, #tpu.memory_space<vmem_shared>> -> memref<640x128xf32, #tpu.memory_space<vmem_shared>>
      tpu.wait_dma2 semaphore(%run_scoped3A : memref<!tpu.dma_semaphore, #tpu.memory_space<semaphore_mem>>) src(%arg5 : memref<640x128xf32, #tpu.memory_space<hbm>>) dst(%dma_wait3A_12 : memref<640x128xf32, #tpu.memory_space<vmem_shared>>)
      tpu.yield
    }) : () -> ()
    %barrier3A = arith.constant 0 : index
    tpu.barrier barrier_id(%barrier3A)
    %scan3A = arith.constant 0 : i32
    %scan3A_3 = arith.constant 0 : i32
    %scan3A_4 = arith.constant 8 : i32
    %scan3A_5 = arith.addi %scan3A_3, %scan3A_4 : i32
    %scan3A_6 = arith.constant 1 : i32
    scf.for %scan3A_11 = %scan3A_3 to %scan3A_5 step %scan3A_6  : i32 {
      %mul3A_12 = arith.constant 8 : i32
      %mul3A_13 = arith.muli %add3A, %mul3A_12 : i32
      %add3A_14 = arith.addi %mul3A_13, %scan3A_11 : i32
      "tpu.region"() ({
        %run_scoped3A = tpu.sem_alloc : memref<!tpu.dma_semaphore, #tpu.memory_space<semaphore_mem>>
        %dma_start3A_70 = arith.constant 0 : i32
        %dma_start3A_71 = arith.constant 0 : i32
        %dma_start3A_72 = tpu.memref_slice %arg2[%add3A_14, %dma_start3A_70, %dma_start3A_71] : memref<256x32x80xi32, #tpu.memory_space<hbm>> -> memref<1x32x80xi32, #tpu.memory_space<hbm>>
        %dma_start3A_73 = tpu.memref_squeeze %dma_start3A_72 : memref<1x32x80xi32, #tpu.memory_space<hbm>> -> memref<32x80xi32, #tpu.memory_space<hbm>>
        %dma_start3A_74 = arith.constant 0 : i32
        %dma_start3A_75 = arith.constant 0 : i32
        %dma_start3A_76 = tpu.memref_slice %arg2[%add3A_14, %dma_start3A_74, %dma_start3A_75] : memref<256x32x80xi32, #tpu.memory_space<hbm>> -> memref<1x32x80xi32, #tpu.memory_space<hbm>>
        %dma_start3A_77 = tpu.memref_squeeze %dma_start3A_76 : memref<1x32x80xi32, #tpu.memory_space<hbm>> -> memref<32x80xi32, #tpu.memory_space<hbm>>
        tpu.enqueue_dma source(%dma_start3A_77 : memref<32x80xi32, #tpu.memory_space<hbm>>) target(%arg8 : memref<32x80xi32, #tpu.memory_space<vmem>>) target_semaphore(%run_scoped3A : memref<!tpu.dma_semaphore, #tpu.memory_space<semaphore_mem>>)
        %dma_wait3A_78 = arith.constant 0 : i32
        %dma_wait3A_79 = arith.constant 0 : i32
        %dma_wait3A_80 = tpu.memref_slice %arg2[%add3A_14, %dma_wait3A_78, %dma_wait3A_79] : memref<256x32x80xi32, #tpu.memory_space<hbm>> -> memref<1x32x80xi32, #tpu.memory_space<hbm>>
        %dma_wait3A_81 = tpu.memref_squeeze %dma_wait3A_80 : memref<1x32x80xi32, #tpu.memory_space<hbm>> -> memref<32x80xi32, #tpu.memory_space<hbm>>
        %dma_wait3A_82 = arith.constant 0 : i32
        %dma_wait3A_83 = arith.constant 0 : i32
        %dma_wait3A_84 = tpu.memref_slice %arg2[%add3A_14, %dma_wait3A_82, %dma_wait3A_83] : memref<256x32x80xi32, #tpu.memory_space<hbm>> -> memref<1x32x80xi32, #tpu.memory_space<hbm>>
        %dma_wait3A_85 = tpu.memref_squeeze %dma_wait3A_84 : memref<1x32x80xi32, #tpu.memory_space<hbm>> -> memref<32x80xi32, #tpu.memory_space<hbm>>
        tpu.wait_dma2 semaphore(%run_scoped3A : memref<!tpu.dma_semaphore, #tpu.memory_space<semaphore_mem>>) src(%dma_wait3A_85 : memref<32x80xi32, #tpu.memory_space<hbm>>) dst(%arg8 : memref<32x80xi32, #tpu.memory_space<vmem>>)
        tpu.yield
      }) : () -> ()
      %mul3A_15 = arith.constant 8 : i32
      %mul3A_16 = arith.muli %arg1, %mul3A_15 : i32
      %add3A_17 = arith.addi %mul3A_16, %scan3A_11 : i32
      "tpu.region"() ({
        %run_scoped3A = tpu.sem_alloc : memref<!tpu.dma_semaphore, #tpu.memory_space<semaphore_mem>>
        %dma_start3A_70 = arith.constant 0 : i32
        %dma_start3A_71 = arith.constant 0 : i32
        %dma_start3A_72 = tpu.memref_slice %arg3[%add3A_17, %dma_start3A_70, %dma_start3A_71] : memref<128x32x80xi32, #tpu.memory_space<hbm>> -> memref<1x32x80xi32, #tpu.memory_space<hbm>>
        %dma_start3A_73 = tpu.memref_squeeze %dma_start3A_72 : memref<1x32x80xi32, #tpu.memory_space<hbm>> -> memref<32x80xi32, #tpu.memory_space<hbm>>
        %dma_start3A_74 = arith.constant 0 : i32
        %dma_start3A_75 = arith.constant 0 : i32
        %dma_start3A_76 = tpu.memref_slice %arg3[%add3A_17, %dma_start3A_74, %dma_start3A_75] : memref<128x32x80xi32, #tpu.memory_space<hbm>> -> memref<1x32x80xi32, #tpu.memory_space<hbm>>
        %dma_start3A_77 = tpu.memref_squeeze %dma_start3A_76 : memref<1x32x80xi32, #tpu.memory_space<hbm>> -> memref<32x80xi32, #tpu.memory_space<hbm>>
        tpu.enqueue_dma source(%dma_start3A_77 : memref<32x80xi32, #tpu.memory_space<hbm>>) target(%arg9 : memref<32x80xi32, #tpu.memory_space<vmem>>) target_semaphore(%run_scoped3A : memref<!tpu.dma_semaphore, #tpu.memory_space<semaphore_mem>>)
        %dma_wait3A_78 = arith.constant 0 : i32
        %dma_wait3A_79 = arith.constant 0 : i32
        %dma_wait3A_80 = tpu.memref_slice %arg3[%add3A_17, %dma_wait3A_78, %dma_wait3A_79] : memref<128x32x80xi32, #tpu.memory_space<hbm>> -> memref<1x32x80xi32, #tpu.memory_space<hbm>>
        %dma_wait3A_81 = tpu.memref_squeeze %dma_wait3A_80 : memref<1x32x80xi32, #tpu.memory_space<hbm>> -> memref<32x80xi32, #tpu.memory_space<hbm>>
        %dma_wait3A_82 = arith.constant 0 : i32
        %dma_wait3A_83 = arith.constant 0 : i32
        %dma_wait3A_84 = tpu.memref_slice %arg3[%add3A_17, %dma_wait3A_82, %dma_wait3A_83] : memref<128x32x80xi32, #tpu.memory_space<hbm>> -> memref<1x32x80xi32, #tpu.memory_space<hbm>>
        %dma_wait3A_85 = tpu.memref_squeeze %dma_wait3A_84 : memref<1x32x80xi32, #tpu.memory_space<hbm>> -> memref<32x80xi32, #tpu.memory_space<hbm>>
        tpu.wait_dma2 semaphore(%run_scoped3A : memref<!tpu.dma_semaphore, #tpu.memory_space<semaphore_mem>>) src(%dma_wait3A_85 : memref<32x80xi32, #tpu.memory_space<hbm>>) dst(%arg9 : memref<32x80xi32, #tpu.memory_space<vmem>>)
        tpu.yield
      }) : () -> ()
      %dma_start3A = arith.constant 0 : i32
      %dma_start3A_18 = arith.constant 0 : i32
      %dma_start3A_19 = arith.constant 0 : i32
      %dma_start3A_20 = arith.constant 0 : i32
      %dma_start3A_21 = tpu.memref_slice %arg10[%dma_start3A_18, %dma_start3A_19, %dma_start3A_20] : memref<4x80x128xf32, #tpu.memory_space<vmem>> -> memref<1x80x128xf32, #tpu.memory_space<vmem>>
      %dma_start3A_22 = tpu.memref_squeeze %dma_start3A_21 : memref<1x80x128xf32, #tpu.memory_space<vmem>> -> memref<80x128xf32, #tpu.memory_space<vmem>>
      %dma_start3A_23 = arith.constant 0 : i32
      %dma_start3A_24 = tpu.memref_slice %arg8[%dma_start3A, %dma_start3A_23] : memref<32x80xi32, #tpu.memory_space<vmem>> -> memref<1x80xi32, #tpu.memory_space<vmem>>
      %dma_start3A_25 = tpu.memref_squeeze %dma_start3A_24 : memref<1x80xi32, #tpu.memory_space<vmem>> -> memref<80xi32, #tpu.memory_space<vmem>>
      %dma_start3A_26 = arith.constant 0 : i32
      %dma_start3A_27 = arith.constant 0 : i32
      %dma_start3A_28 = tpu.memref_slice %arg4[%dma_start3A_26, %dma_start3A_27] : memref<20480x128xf32, #tpu.memory_space<hbm>> -> memref<20480x128xf32, #tpu.memory_space<hbm>>
      tpu.enqueue_indirect_dma source(%dma_start3A_28 : memref<20480x128xf32, #tpu.memory_space<hbm>>) target(%dma_start3A_22 : memref<80x128xf32, #tpu.memory_space<vmem>>) offsets(%dma_start3A_25 : memref<80xi32, #tpu.memory_space<vmem>>) semaphore(%arg11 : memref<!tpu.dma_semaphore, #tpu.memory_space<semaphore_mem>>)
      %dma_start3A_29 = arith.constant 1 : i32
      %dma_start3A_30 = arith.constant 1 : i32
      %dma_start3A_31 = arith.constant 0 : i32
      %dma_start3A_32 = arith.constant 0 : i32
      %dma_start3A_33 = tpu.memref_slice %arg10[%dma_start3A_30, %dma_start3A_31, %dma_start3A_32] : memref<4x80x128xf32, #tpu.memory_space<vmem>> -> memref<1x80x128xf32, #tpu.memory_space<vmem>>
      %dma_start3A_34 = tpu.memref_squeeze %dma_start3A_33 : memref<1x80x128xf32, #tpu.memory_space<vmem>> -> memref<80x128xf32, #tpu.memory_space<vmem>>
      %dma_start3A_35 = arith.constant 0 : i32
      %dma_start3A_36 = tpu.memref_slice %arg8[%dma_start3A_29, %dma_start3A_35] : memref<32x80xi32, #tpu.memory_space<vmem>> -> memref<1x80xi32, #tpu.memory_space<vmem>>
      %dma_start3A_37 = tpu.memref_squeeze %dma_start3A_36 : memref<1x80xi32, #tpu.memory_space<vmem>> -> memref<80xi32, #tpu.memory_space<vmem>>
      %dma_start3A_38 = arith.constant 0 : i32
      %dma_start3A_39 = arith.constant 0 : i32
      %dma_start3A_40 = tpu.memref_slice %arg4[%dma_start3A_38, %dma_start3A_39] : memref<20480x128xf32, #tpu.memory_space<hbm>> -> memref<20480x128xf32, #tpu.memory_space<hbm>>
      tpu.enqueue_indirect_dma source(%dma_start3A_40 : memref<20480x128xf32, #tpu.memory_space<hbm>>) target(%dma_start3A_34 : memref<80x128xf32, #tpu.memory_space<vmem>>) offsets(%dma_start3A_37 : memref<80xi32, #tpu.memory_space<vmem>>) semaphore(%arg11 : memref<!tpu.dma_semaphore, #tpu.memory_space<semaphore_mem>>)
      %scan3A_41 = arith.constant 0 : i32
      %scan3A_42 = arith.constant 0 : i32
      %scan3A_43 = arith.constant 8 : i32
      %scan3A_44 = arith.addi %scan3A_42, %scan3A_43 : i32
      %scan3A_45 = arith.constant 1 : i32
      scf.for %scan3A_70 = %scan3A_42 to %scan3A_44 step %scan3A_45  : i32 {
        %mul3A_71 = arith.constant 4 : i32
        %mul3A_72 = arith.muli %mul3A_71, %scan3A_70 : i32
        %add3A_73 = arith.constant 0 : i32
        %add3A_74 = arith.addi %mul3A_72, %add3A_73 : i32
        %ge3A = arith.constant 2 : i32
        %ge3A_75 = arith.cmpi sge, %add3A_74, %ge3A : i32
        %convert_element_type3A = arith.extui %ge3A_75 : i1 to i32
        %cond3A = arith.constant 0 : i32
        %cond3A_76 = arith.cmpi ne, %convert_element_type3A, %cond3A : i32
        scf.if %cond3A_76 {
          %sub3A = arith.constant 2 : i32
          %sub3A_219 = arith.subi %add3A_74, %sub3A : i32
          %dma_wait3A_220 = arith.constant 2 : i32
          %dma_wait3A_221 = arith.constant 0 : i32
          %dma_wait3A_222 = arith.constant 0 : i32
          %dma_wait3A_223 = tpu.memref_slice %arg10[%dma_wait3A_220, %dma_wait3A_221, %dma_wait3A_222] : memref<4x80x128xf32, #tpu.memory_space<vmem>> -> memref<1x80x128xf32, #tpu.memory_space<vmem>>
          %dma_wait3A_224 = tpu.memref_squeeze %dma_wait3A_223 : memref<1x80x128xf32, #tpu.memory_space<vmem>> -> memref<80x128xf32, #tpu.memory_space<vmem>>
          %dma_wait3A_225 = arith.constant 0 : i32
          %dma_wait3A_226 = tpu.memref_slice %arg9[%sub3A_219, %dma_wait3A_225] : memref<32x80xi32, #tpu.memory_space<vmem>> -> memref<1x80xi32, #tpu.memory_space<vmem>>
          %dma_wait3A_227 = tpu.memref_squeeze %dma_wait3A_226 : memref<1x80xi32, #tpu.memory_space<vmem>> -> memref<80xi32, #tpu.memory_space<vmem>>
          %dma_wait3A_228 = arith.constant 0 : i32
          %dma_wait3A_229 = arith.constant 0 : i32
          %dma_wait3A_230 = tpu.memref_slice %arg7[%dma_wait3A_228, %dma_wait3A_229] : memref<10240x128xf32, #tpu.memory_space<vmem_shared>> -> memref<10240x128xf32, #tpu.memory_space<vmem_shared>>
          tpu.wait_indirect_dma semaphore(%arg12 : memref<!tpu.dma_semaphore, #tpu.memory_space<semaphore_mem>>) src(%dma_wait3A_224 : memref<80x128xf32, #tpu.memory_space<vmem>>) dst(%dma_wait3A_230 : memref<10240x128xf32, #tpu.memory_space<vmem_shared>>)
        } else {
        }
        %add3A_77 = arith.constant 2 : i32
        %add3A_78 = arith.addi %add3A_74, %add3A_77 : i32
        %lt3A = arith.constant 32 : i32
        %lt3A_79 = arith.cmpi slt, %add3A_78, %lt3A : i32
        %convert_element_type3A_80 = arith.extui %lt3A_79 : i1 to i32
        %cond3A_81 = arith.constant 0 : i32
        %cond3A_82 = arith.cmpi ne, %convert_element_type3A_80, %cond3A_81 : i32
        scf.if %cond3A_82 {
          %add3A_219 = arith.constant 2 : i32
          %add3A_220 = arith.addi %add3A_74, %add3A_219 : i32
          %dma_start3A_221 = arith.constant 2 : i32
          %dma_start3A_222 = arith.constant 0 : i32
          %dma_start3A_223 = arith.constant 0 : i32
          %dma_start3A_224 = tpu.memref_slice %arg10[%dma_start3A_221, %dma_start3A_222, %dma_start3A_223] : memref<4x80x128xf32, #tpu.memory_space<vmem>> -> memref<1x80x128xf32, #tpu.memory_space<vmem>>
          %dma_start3A_225 = tpu.memref_squeeze %dma_start3A_224 : memref<1x80x128xf32, #tpu.memory_space<vmem>> -> memref<80x128xf32, #tpu.memory_space<vmem>>
          %dma_start3A_226 = arith.constant 0 : i32
          %dma_start3A_227 = tpu.memref_slice %arg8[%add3A_220, %dma_start3A_226] : memref<32x80xi32, #tpu.memory_space<vmem>> -> memref<1x80xi32, #tpu.memory_space<vmem>>
          %dma_start3A_228 = tpu.memref_squeeze %dma_start3A_227 : memref<1x80xi32, #tpu.memory_space<vmem>> -> memref<80xi32, #tpu.memory_space<vmem>>
          %dma_start3A_229 = arith.constant 0 : i32
          %dma_start3A_230 = arith.constant 0 : i32
          %dma_start3A_231 = tpu.memref_slice %arg4[%dma_start3A_229, %dma_start3A_230] : memref<20480x128xf32, #tpu.memory_space<hbm>> -> memref<20480x128xf32, #tpu.memory_space<hbm>>
          tpu.enqueue_indirect_dma source(%dma_start3A_231 : memref<20480x128xf32, #tpu.memory_space<hbm>>) target(%dma_start3A_225 : memref<80x128xf32, #tpu.memory_space<vmem>>) offsets(%dma_start3A_228 : memref<80xi32, #tpu.memory_space<vmem>>) semaphore(%arg11 : memref<!tpu.dma_semaphore, #tpu.memory_space<semaphore_mem>>)
        } else {
        }
        %dma_wait3A_83 = arith.constant 0 : i32
        %dma_wait3A_84 = arith.constant 0 : i32
        %dma_wait3A_85 = arith.constant 0 : i32
        %dma_wait3A_86 = tpu.memref_slice %arg10[%dma_wait3A_83, %dma_wait3A_84, %dma_wait3A_85] : memref<4x80x128xf32, #tpu.memory_space<vmem>> -> memref<1x80x128xf32, #tpu.memory_space<vmem>>
        %dma_wait3A_87 = tpu.memref_squeeze %dma_wait3A_86 : memref<1x80x128xf32, #tpu.memory_space<vmem>> -> memref<80x128xf32, #tpu.memory_space<vmem>>
        %dma_wait3A_88 = arith.constant 0 : i32
        %dma_wait3A_89 = tpu.memref_slice %arg8[%add3A_74, %dma_wait3A_88] : memref<32x80xi32, #tpu.memory_space<vmem>> -> memref<1x80xi32, #tpu.memory_space<vmem>>
        %dma_wait3A_90 = tpu.memref_squeeze %dma_wait3A_89 : memref<1x80xi32, #tpu.memory_space<vmem>> -> memref<80xi32, #tpu.memory_space<vmem>>
        %dma_wait3A_91 = arith.constant 0 : i32
        %dma_wait3A_92 = arith.constant 0 : i32
        %dma_wait3A_93 = tpu.memref_slice %arg4[%dma_wait3A_91, %dma_wait3A_92] : memref<20480x128xf32, #tpu.memory_space<hbm>> -> memref<20480x128xf32, #tpu.memory_space<hbm>>
        tpu.wait_indirect_dma semaphore(%arg11 : memref<!tpu.dma_semaphore, #tpu.memory_space<semaphore_mem>>) src(%dma_wait3A_93 : memref<20480x128xf32, #tpu.memory_space<hbm>>) dst(%dma_wait3A_87 : memref<80x128xf32, #tpu.memory_space<vmem>>)
        %dma_start3A_94 = arith.constant 0 : i32
        %dma_start3A_95 = arith.constant 0 : i32
        %dma_start3A_96 = arith.constant 0 : i32
        %dma_start3A_97 = tpu.memref_slice %arg10[%dma_start3A_94, %dma_start3A_95, %dma_start3A_96] : memref<4x80x128xf32, #tpu.memory_space<vmem>> -> memref<1x80x128xf32, #tpu.memory_space<vmem>>
        %dma_start3A_98 = tpu.memref_squeeze %dma_start3A_97 : memref<1x80x128xf32, #tpu.memory_space<vmem>> -> memref<80x128xf32, #tpu.memory_space<vmem>>
        %dma_start3A_99 = arith.constant 0 : i32
        %dma_start3A_100 = tpu.memref_slice %arg9[%add3A_74, %dma_start3A_99] : memref<32x80xi32, #tpu.memory_space<vmem>> -> memref<1x80xi32, #tpu.memory_space<vmem>>
        %dma_start3A_101 = tpu.memref_squeeze %dma_start3A_100 : memref<1x80xi32, #tpu.memory_space<vmem>> -> memref<80xi32, #tpu.memory_space<vmem>>
        %dma_start3A_102 = arith.constant 0 : i32
        %dma_start3A_103 = arith.constant 0 : i32
        %dma_start3A_104 = tpu.memref_slice %arg7[%dma_start3A_102, %dma_start3A_103] : memref<10240x128xf32, #tpu.memory_space<vmem_shared>> -> memref<10240x128xf32, #tpu.memory_space<vmem_shared>>
        tpu.enqueue_indirect_dma source(%dma_start3A_98 : memref<80x128xf32, #tpu.memory_space<vmem>>) target(%dma_start3A_104 : memref<10240x128xf32, #tpu.memory_space<vmem_shared>>) offsets(%dma_start3A_101 : memref<80xi32, #tpu.memory_space<vmem>>) semaphore(%arg12 : memref<!tpu.dma_semaphore, #tpu.memory_space<semaphore_mem>>) {add = true}
        %mul3A_105 = arith.constant 4 : i32
        %mul3A_106 = arith.muli %mul3A_105, %scan3A_70 : i32
        %add3A_107 = arith.constant 1 : i32
        %add3A_108 = arith.addi %mul3A_106, %add3A_107 : i32
        %ge3A_109 = arith.constant 2 : i32
        %ge3A_110 = arith.cmpi sge, %add3A_108, %ge3A_109 : i32
        %convert_element_type3A_111 = arith.extui %ge3A_110 : i1 to i32
        %cond3A_112 = arith.constant 0 : i32
        %cond3A_113 = arith.cmpi ne, %convert_element_type3A_111, %cond3A_112 : i32
        scf.if %cond3A_113 {
          %sub3A = arith.constant 2 : i32
          %sub3A_219 = arith.subi %add3A_108, %sub3A : i32
          %dma_wait3A_220 = arith.constant 3 : i32
          %dma_wait3A_221 = arith.constant 0 : i32
          %dma_wait3A_222 = arith.constant 0 : i32
          %dma_wait3A_223 = tpu.memref_slice %arg10[%dma_wait3A_220, %dma_wait3A_221, %dma_wait3A_222] : memref<4x80x128xf32, #tpu.memory_space<vmem>> -> memref<1x80x128xf32, #tpu.memory_space<vmem>>
          %dma_wait3A_224 = tpu.memref_squeeze %dma_wait3A_223 : memref<1x80x128xf32, #tpu.memory_space<vmem>> -> memref<80x128xf32, #tpu.memory_space<vmem>>
          %dma_wait3A_225 = arith.constant 0 : i32
          %dma_wait3A_226 = tpu.memref_slice %arg9[%sub3A_219, %dma_wait3A_225] : memref<32x80xi32, #tpu.memory_space<vmem>> -> memref<1x80xi32, #tpu.memory_space<vmem>>
          %dma_wait3A_227 = tpu.memref_squeeze %dma_wait3A_226 : memref<1x80xi32, #tpu.memory_space<vmem>> -> memref<80xi32, #tpu.memory_space<vmem>>
          %dma_wait3A_228 = arith.constant 0 : i32
          %dma_wait3A_229 = arith.constant 0 : i32
          %dma_wait3A_230 = tpu.memref_slice %arg7[%dma_wait3A_228, %dma_wait3A_229] : memref<10240x128xf32, #tpu.memory_space<vmem_shared>> -> memref<10240x128xf32, #tpu.memory_space<vmem_shared>>
          tpu.wait_indirect_dma semaphore(%arg12 : memref<!tpu.dma_semaphore, #tpu.memory_space<semaphore_mem>>) src(%dma_wait3A_224 : memref<80x128xf32, #tpu.memory_space<vmem>>) dst(%dma_wait3A_230 : memref<10240x128xf32, #tpu.memory_space<vmem_shared>>)
        } else {
        }
        %add3A_114 = arith.constant 2 : i32
        %add3A_115 = arith.addi %add3A_108, %add3A_114 : i32
        %lt3A_116 = arith.constant 32 : i32
        %lt3A_117 = arith.cmpi slt, %add3A_115, %lt3A_116 : i32
        %convert_element_type3A_118 = arith.extui %lt3A_117 : i1 to i32
        %cond3A_119 = arith.constant 0 : i32
        %cond3A_120 = arith.cmpi ne, %convert_element_type3A_118, %cond3A_119 : i32
        scf.if %cond3A_120 {
          %add3A_219 = arith.constant 2 : i32
          %add3A_220 = arith.addi %add3A_108, %add3A_219 : i32
          %dma_start3A_221 = arith.constant 3 : i32
          %dma_start3A_222 = arith.constant 0 : i32
          %dma_start3A_223 = arith.constant 0 : i32
          %dma_start3A_224 = tpu.memref_slice %arg10[%dma_start3A_221, %dma_start3A_222, %dma_start3A_223] : memref<4x80x128xf32, #tpu.memory_space<vmem>> -> memref<1x80x128xf32, #tpu.memory_space<vmem>>
          %dma_start3A_225 = tpu.memref_squeeze %dma_start3A_224 : memref<1x80x128xf32, #tpu.memory_space<vmem>> -> memref<80x128xf32, #tpu.memory_space<vmem>>
          %dma_start3A_226 = arith.constant 0 : i32
          %dma_start3A_227 = tpu.memref_slice %arg8[%add3A_220, %dma_start3A_226] : memref<32x80xi32, #tpu.memory_space<vmem>> -> memref<1x80xi32, #tpu.memory_space<vmem>>
          %dma_start3A_228 = tpu.memref_squeeze %dma_start3A_227 : memref<1x80xi32, #tpu.memory_space<vmem>> -> memref<80xi32, #tpu.memory_space<vmem>>
          %dma_start3A_229 = arith.constant 0 : i32
          %dma_start3A_230 = arith.constant 0 : i32
          %dma_start3A_231 = tpu.memref_slice %arg4[%dma_start3A_229, %dma_start3A_230] : memref<20480x128xf32, #tpu.memory_space<hbm>> -> memref<20480x128xf32, #tpu.memory_space<hbm>>
          tpu.enqueue_indirect_dma source(%dma_start3A_231 : memref<20480x128xf32, #tpu.memory_space<hbm>>) target(%dma_start3A_225 : memref<80x128xf32, #tpu.memory_space<vmem>>) offsets(%dma_start3A_228 : memref<80xi32, #tpu.memory_space<vmem>>) semaphore(%arg11 : memref<!tpu.dma_semaphore, #tpu.memory_space<semaphore_mem>>)
        } else {
        }
        %dma_wait3A_121 = arith.constant 1 : i32
        %dma_wait3A_122 = arith.constant 0 : i32
        %dma_wait3A_123 = arith.constant 0 : i32
        %dma_wait3A_124 = tpu.memref_slice %arg10[%dma_wait3A_121, %dma_wait3A_122, %dma_wait3A_123] : memref<4x80x128xf32, #tpu.memory_space<vmem>> -> memref<1x80x128xf32, #tpu.memory_space<vmem>>
        %dma_wait3A_125 = tpu.memref_squeeze %dma_wait3A_124 : memref<1x80x128xf32, #tpu.memory_space<vmem>> -> memref<80x128xf32, #tpu.memory_space<vmem>>
        %dma_wait3A_126 = arith.constant 0 : i32
        %dma_wait3A_127 = tpu.memref_slice %arg8[%add3A_108, %dma_wait3A_126] : memref<32x80xi32, #tpu.memory_space<vmem>> -> memref<1x80xi32, #tpu.memory_space<vmem>>
        %dma_wait3A_128 = tpu.memref_squeeze %dma_wait3A_127 : memref<1x80xi32, #tpu.memory_space<vmem>> -> memref<80xi32, #tpu.memory_space<vmem>>
        %dma_wait3A_129 = arith.constant 0 : i32
        %dma_wait3A_130 = arith.constant 0 : i32
        %dma_wait3A_131 = tpu.memref_slice %arg4[%dma_wait3A_129, %dma_wait3A_130] : memref<20480x128xf32, #tpu.memory_space<hbm>> -> memref<20480x128xf32, #tpu.memory_space<hbm>>
        tpu.wait_indirect_dma semaphore(%arg11 : memref<!tpu.dma_semaphore, #tpu.memory_space<semaphore_mem>>) src(%dma_wait3A_131 : memref<20480x128xf32, #tpu.memory_space<hbm>>) dst(%dma_wait3A_125 : memref<80x128xf32, #tpu.memory_space<vmem>>)
        %dma_start3A_132 = arith.constant 1 : i32
        %dma_start3A_133 = arith.constant 0 : i32
        %dma_start3A_134 = arith.constant 0 : i32
        %dma_start3A_135 = tpu.memref_slice %arg10[%dma_start3A_132, %dma_start3A_133, %dma_start3A_134] : memref<4x80x128xf32, #tpu.memory_space<vmem>> -> memref<1x80x128xf32, #tpu.memory_space<vmem>>
        %dma_start3A_136 = tpu.memref_squeeze %dma_start3A_135 : memref<1x80x128xf32, #tpu.memory_space<vmem>> -> memref<80x128xf32, #tpu.memory_space<vmem>>
        %dma_start3A_137 = arith.constant 0 : i32
        %dma_start3A_138 = tpu.memref_slice %arg9[%add3A_108, %dma_start3A_137] : memref<32x80xi32, #tpu.memory_space<vmem>> -> memref<1x80xi32, #tpu.memory_space<vmem>>
        %dma_start3A_139 = tpu.memref_squeeze %dma_start3A_138 : memref<1x80xi32, #tpu.memory_space<vmem>> -> memref<80xi32, #tpu.memory_space<vmem>>
        %dma_start3A_140 = arith.constant 0 : i32
        %dma_start3A_141 = arith.constant 0 : i32
        %dma_start3A_142 = tpu.memref_slice %arg7[%dma_start3A_140, %dma_start3A_141] : memref<10240x128xf32, #tpu.memory_space<vmem_shared>> -> memref<10240x128xf32, #tpu.memory_space<vmem_shared>>
        tpu.enqueue_indirect_dma source(%dma_start3A_136 : memref<80x128xf32, #tpu.memory_space<vmem>>) target(%dma_start3A_142 : memref<10240x128xf32, #tpu.memory_space<vmem_shared>>) offsets(%dma_start3A_139 : memref<80xi32, #tpu.memory_space<vmem>>) semaphore(%arg12 : memref<!tpu.dma_semaphore, #tpu.memory_space<semaphore_mem>>) {add = true}
        %mul3A_143 = arith.constant 4 : i32
        %mul3A_144 = arith.muli %mul3A_143, %scan3A_70 : i32
        %add3A_145 = arith.constant 2 : i32
        %add3A_146 = arith.addi %mul3A_144, %add3A_145 : i32
        %ge3A_147 = arith.constant 2 : i32
        %ge3A_148 = arith.cmpi sge, %add3A_146, %ge3A_147 : i32
        %convert_element_type3A_149 = arith.extui %ge3A_148 : i1 to i32
        %cond3A_150 = arith.constant 0 : i32
        %cond3A_151 = arith.cmpi ne, %convert_element_type3A_149, %cond3A_150 : i32
        scf.if %cond3A_151 {
          %sub3A = arith.constant 2 : i32
          %sub3A_219 = arith.subi %add3A_146, %sub3A : i32
          %dma_wait3A_220 = arith.constant 0 : i32
          %dma_wait3A_221 = arith.constant 0 : i32
          %dma_wait3A_222 = arith.constant 0 : i32
          %dma_wait3A_223 = tpu.memref_slice %arg10[%dma_wait3A_220, %dma_wait3A_221, %dma_wait3A_222] : memref<4x80x128xf32, #tpu.memory_space<vmem>> -> memref<1x80x128xf32, #tpu.memory_space<vmem>>
          %dma_wait3A_224 = tpu.memref_squeeze %dma_wait3A_223 : memref<1x80x128xf32, #tpu.memory_space<vmem>> -> memref<80x128xf32, #tpu.memory_space<vmem>>
          %dma_wait3A_225 = arith.constant 0 : i32
          %dma_wait3A_226 = tpu.memref_slice %arg9[%sub3A_219, %dma_wait3A_225] : memref<32x80xi32, #tpu.memory_space<vmem>> -> memref<1x80xi32, #tpu.memory_space<vmem>>
          %dma_wait3A_227 = tpu.memref_squeeze %dma_wait3A_226 : memref<1x80xi32, #tpu.memory_space<vmem>> -> memref<80xi32, #tpu.memory_space<vmem>>
          %dma_wait3A_228 = arith.constant 0 : i32
          %dma_wait3A_229 = arith.constant 0 : i32
          %dma_wait3A_230 = tpu.memref_slice %arg7[%dma_wait3A_228, %dma_wait3A_229] : memref<10240x128xf32, #tpu.memory_space<vmem_shared>> -> memref<10240x128xf32, #tpu.memory_space<vmem_shared>>
          tpu.wait_indirect_dma semaphore(%arg12 : memref<!tpu.dma_semaphore, #tpu.memory_space<semaphore_mem>>) src(%dma_wait3A_224 : memref<80x128xf32, #tpu.memory_space<vmem>>) dst(%dma_wait3A_230 : memref<10240x128xf32, #tpu.memory_space<vmem_shared>>)
        } else {
        }
        %add3A_152 = arith.constant 2 : i32
        %add3A_153 = arith.addi %add3A_146, %add3A_152 : i32
        %lt3A_154 = arith.constant 32 : i32
        %lt3A_155 = arith.cmpi slt, %add3A_153, %lt3A_154 : i32
        %convert_element_type3A_156 = arith.extui %lt3A_155 : i1 to i32
        %cond3A_157 = arith.constant 0 : i32
        %cond3A_158 = arith.cmpi ne, %convert_element_type3A_156, %cond3A_157 : i32
        scf.if %cond3A_158 {
          %add3A_219 = arith.constant 2 : i32
          %add3A_220 = arith.addi %add3A_146, %add3A_219 : i32
          %dma_start3A_221 = arith.constant 0 : i32
          %dma_start3A_222 = arith.constant 0 : i32
          %dma_start3A_223 = arith.constant 0 : i32
          %dma_start3A_224 = tpu.memref_slice %arg10[%dma_start3A_221, %dma_start3A_222, %dma_start3A_223] : memref<4x80x128xf32, #tpu.memory_space<vmem>> -> memref<1x80x128xf32, #tpu.memory_space<vmem>>
          %dma_start3A_225 = tpu.memref_squeeze %dma_start3A_224 : memref<1x80x128xf32, #tpu.memory_space<vmem>> -> memref<80x128xf32, #tpu.memory_space<vmem>>
          %dma_start3A_226 = arith.constant 0 : i32
          %dma_start3A_227 = tpu.memref_slice %arg8[%add3A_220, %dma_start3A_226] : memref<32x80xi32, #tpu.memory_space<vmem>> -> memref<1x80xi32, #tpu.memory_space<vmem>>
          %dma_start3A_228 = tpu.memref_squeeze %dma_start3A_227 : memref<1x80xi32, #tpu.memory_space<vmem>> -> memref<80xi32, #tpu.memory_space<vmem>>
          %dma_start3A_229 = arith.constant 0 : i32
          %dma_start3A_230 = arith.constant 0 : i32
          %dma_start3A_231 = tpu.memref_slice %arg4[%dma_start3A_229, %dma_start3A_230] : memref<20480x128xf32, #tpu.memory_space<hbm>> -> memref<20480x128xf32, #tpu.memory_space<hbm>>
          tpu.enqueue_indirect_dma source(%dma_start3A_231 : memref<20480x128xf32, #tpu.memory_space<hbm>>) target(%dma_start3A_225 : memref<80x128xf32, #tpu.memory_space<vmem>>) offsets(%dma_start3A_228 : memref<80xi32, #tpu.memory_space<vmem>>) semaphore(%arg11 : memref<!tpu.dma_semaphore, #tpu.memory_space<semaphore_mem>>)
        } else {
        }
        %dma_wait3A_159 = arith.constant 2 : i32
        %dma_wait3A_160 = arith.constant 0 : i32
        %dma_wait3A_161 = arith.constant 0 : i32
        %dma_wait3A_162 = tpu.memref_slice %arg10[%dma_wait3A_159, %dma_wait3A_160, %dma_wait3A_161] : memref<4x80x128xf32, #tpu.memory_space<vmem>> -> memref<1x80x128xf32, #tpu.memory_space<vmem>>
        %dma_wait3A_163 = tpu.memref_squeeze %dma_wait3A_162 : memref<1x80x128xf32, #tpu.memory_space<vmem>> -> memref<80x128xf32, #tpu.memory_space<vmem>>
        %dma_wait3A_164 = arith.constant 0 : i32
        %dma_wait3A_165 = tpu.memref_slice %arg8[%add3A_146, %dma_wait3A_164] : memref<32x80xi32, #tpu.memory_space<vmem>> -> memref<1x80xi32, #tpu.memory_space<vmem>>
        %dma_wait3A_166 = tpu.memref_squeeze %dma_wait3A_165 : memref<1x80xi32, #tpu.memory_space<vmem>> -> memref<80xi32, #tpu.memory_space<vmem>>
        %dma_wait3A_167 = arith.constant 0 : i32
        %dma_wait3A_168 = arith.constant 0 : i32
        %dma_wait3A_169 = tpu.memref_slice %arg4[%dma_wait3A_167, %dma_wait3A_168] : memref<20480x128xf32, #tpu.memory_space<hbm>> -> memref<20480x128xf32, #tpu.memory_space<hbm>>
        tpu.wait_indirect_dma semaphore(%arg11 : memref<!tpu.dma_semaphore, #tpu.memory_space<semaphore_mem>>) src(%dma_wait3A_169 : memref<20480x128xf32, #tpu.memory_space<hbm>>) dst(%dma_wait3A_163 : memref<80x128xf32, #tpu.memory_space<vmem>>)
        %dma_start3A_170 = arith.constant 2 : i32
        %dma_start3A_171 = arith.constant 0 : i32
        %dma_start3A_172 = arith.constant 0 : i32
        %dma_start3A_173 = tpu.memref_slice %arg10[%dma_start3A_170, %dma_start3A_171, %dma_start3A_172] : memref<4x80x128xf32, #tpu.memory_space<vmem>> -> memref<1x80x128xf32, #tpu.memory_space<vmem>>
        %dma_start3A_174 = tpu.memref_squeeze %dma_start3A_173 : memref<1x80x128xf32, #tpu.memory_space<vmem>> -> memref<80x128xf32, #tpu.memory_space<vmem>>
        %dma_start3A_175 = arith.constant 0 : i32
        %dma_start3A_176 = tpu.memref_slice %arg9[%add3A_146, %dma_start3A_175] : memref<32x80xi32, #tpu.memory_space<vmem>> -> memref<1x80xi32, #tpu.memory_space<vmem>>
        %dma_start3A_177 = tpu.memref_squeeze %dma_start3A_176 : memref<1x80xi32, #tpu.memory_space<vmem>> -> memref<80xi32, #tpu.memory_space<vmem>>
        %dma_start3A_178 = arith.constant 0 : i32
        %dma_start3A_179 = arith.constant 0 : i32
        %dma_start3A_180 = tpu.memref_slice %arg7[%dma_start3A_178, %dma_start3A_179] : memref<10240x128xf32, #tpu.memory_space<vmem_shared>> -> memref<10240x128xf32, #tpu.memory_space<vmem_shared>>
        tpu.enqueue_indirect_dma source(%dma_start3A_174 : memref<80x128xf32, #tpu.memory_space<vmem>>) target(%dma_start3A_180 : memref<10240x128xf32, #tpu.memory_space<vmem_shared>>) offsets(%dma_start3A_177 : memref<80xi32, #tpu.memory_space<vmem>>) semaphore(%arg12 : memref<!tpu.dma_semaphore, #tpu.memory_space<semaphore_mem>>) {add = true}
        %mul3A_181 = arith.constant 4 : i32
        %mul3A_182 = arith.muli %mul3A_181, %scan3A_70 : i32
        %add3A_183 = arith.constant 3 : i32
        %add3A_184 = arith.addi %mul3A_182, %add3A_183 : i32
        %ge3A_185 = arith.constant 2 : i32
        %ge3A_186 = arith.cmpi sge, %add3A_184, %ge3A_185 : i32
        %convert_element_type3A_187 = arith.extui %ge3A_186 : i1 to i32
        %cond3A_188 = arith.constant 0 : i32
        %cond3A_189 = arith.cmpi ne, %convert_element_type3A_187, %cond3A_188 : i32
        scf.if %cond3A_189 {
          %sub3A = arith.constant 2 : i32
          %sub3A_219 = arith.subi %add3A_184, %sub3A : i32
          %dma_wait3A_220 = arith.constant 1 : i32
          %dma_wait3A_221 = arith.constant 0 : i32
          %dma_wait3A_222 = arith.constant 0 : i32
          %dma_wait3A_223 = tpu.memref_slice %arg10[%dma_wait3A_220, %dma_wait3A_221, %dma_wait3A_222] : memref<4x80x128xf32, #tpu.memory_space<vmem>> -> memref<1x80x128xf32, #tpu.memory_space<vmem>>
          %dma_wait3A_224 = tpu.memref_squeeze %dma_wait3A_223 : memref<1x80x128xf32, #tpu.memory_space<vmem>> -> memref<80x128xf32, #tpu.memory_space<vmem>>
          %dma_wait3A_225 = arith.constant 0 : i32
          %dma_wait3A_226 = tpu.memref_slice %arg9[%sub3A_219, %dma_wait3A_225] : memref<32x80xi32, #tpu.memory_space<vmem>> -> memref<1x80xi32, #tpu.memory_space<vmem>>
          %dma_wait3A_227 = tpu.memref_squeeze %dma_wait3A_226 : memref<1x80xi32, #tpu.memory_space<vmem>> -> memref<80xi32, #tpu.memory_space<vmem>>
          %dma_wait3A_228 = arith.constant 0 : i32
          %dma_wait3A_229 = arith.constant 0 : i32
          %dma_wait3A_230 = tpu.memref_slice %arg7[%dma_wait3A_228, %dma_wait3A_229] : memref<10240x128xf32, #tpu.memory_space<vmem_shared>> -> memref<10240x128xf32, #tpu.memory_space<vmem_shared>>
          tpu.wait_indirect_dma semaphore(%arg12 : memref<!tpu.dma_semaphore, #tpu.memory_space<semaphore_mem>>) src(%dma_wait3A_224 : memref<80x128xf32, #tpu.memory_space<vmem>>) dst(%dma_wait3A_230 : memref<10240x128xf32, #tpu.memory_space<vmem_shared>>)
        } else {
        }
        %add3A_190 = arith.constant 2 : i32
        %add3A_191 = arith.addi %add3A_184, %add3A_190 : i32
        %lt3A_192 = arith.constant 32 : i32
        %lt3A_193 = arith.cmpi slt, %add3A_191, %lt3A_192 : i32
        %convert_element_type3A_194 = arith.extui %lt3A_193 : i1 to i32
        %cond3A_195 = arith.constant 0 : i32
        %cond3A_196 = arith.cmpi ne, %convert_element_type3A_194, %cond3A_195 : i32
        scf.if %cond3A_196 {
          %add3A_219 = arith.constant 2 : i32
          %add3A_220 = arith.addi %add3A_184, %add3A_219 : i32
          %dma_start3A_221 = arith.constant 1 : i32
          %dma_start3A_222 = arith.constant 0 : i32
          %dma_start3A_223 = arith.constant 0 : i32
          %dma_start3A_224 = tpu.memref_slice %arg10[%dma_start3A_221, %dma_start3A_222, %dma_start3A_223] : memref<4x80x128xf32, #tpu.memory_space<vmem>> -> memref<1x80x128xf32, #tpu.memory_space<vmem>>
          %dma_start3A_225 = tpu.memref_squeeze %dma_start3A_224 : memref<1x80x128xf32, #tpu.memory_space<vmem>> -> memref<80x128xf32, #tpu.memory_space<vmem>>
          %dma_start3A_226 = arith.constant 0 : i32
          %dma_start3A_227 = tpu.memref_slice %arg8[%add3A_220, %dma_start3A_226] : memref<32x80xi32, #tpu.memory_space<vmem>> -> memref<1x80xi32, #tpu.memory_space<vmem>>
          %dma_start3A_228 = tpu.memref_squeeze %dma_start3A_227 : memref<1x80xi32, #tpu.memory_space<vmem>> -> memref<80xi32, #tpu.memory_space<vmem>>
          %dma_start3A_229 = arith.constant 0 : i32
          %dma_start3A_230 = arith.constant 0 : i32
          %dma_start3A_231 = tpu.memref_slice %arg4[%dma_start3A_229, %dma_start3A_230] : memref<20480x128xf32, #tpu.memory_space<hbm>> -> memref<20480x128xf32, #tpu.memory_space<hbm>>
          tpu.enqueue_indirect_dma source(%dma_start3A_231 : memref<20480x128xf32, #tpu.memory_space<hbm>>) target(%dma_start3A_225 : memref<80x128xf32, #tpu.memory_space<vmem>>) offsets(%dma_start3A_228 : memref<80xi32, #tpu.memory_space<vmem>>) semaphore(%arg11 : memref<!tpu.dma_semaphore, #tpu.memory_space<semaphore_mem>>)
        } else {
        }
        %dma_wait3A_197 = arith.constant 3 : i32
        %dma_wait3A_198 = arith.constant 0 : i32
        %dma_wait3A_199 = arith.constant 0 : i32
        %dma_wait3A_200 = tpu.memref_slice %arg10[%dma_wait3A_197, %dma_wait3A_198, %dma_wait3A_199] : memref<4x80x128xf32, #tpu.memory_space<vmem>> -> memref<1x80x128xf32, #tpu.memory_space<vmem>>
        %dma_wait3A_201 = tpu.memref_squeeze %dma_wait3A_200 : memref<1x80x128xf32, #tpu.memory_space<vmem>> -> memref<80x128xf32, #tpu.memory_space<vmem>>
        %dma_wait3A_202 = arith.constant 0 : i32
        %dma_wait3A_203 = tpu.memref_slice %arg8[%add3A_184, %dma_wait3A_202] : memref<32x80xi32, #tpu.memory_space<vmem>> -> memref<1x80xi32, #tpu.memory_space<vmem>>
        %dma_wait3A_204 = tpu.memref_squeeze %dma_wait3A_203 : memref<1x80xi32, #tpu.memory_space<vmem>> -> memref<80xi32, #tpu.memory_space<vmem>>
        %dma_wait3A_205 = arith.constant 0 : i32
        %dma_wait3A_206 = arith.constant 0 : i32
        %dma_wait3A_207 = tpu.memref_slice %arg4[%dma_wait3A_205, %dma_wait3A_206] : memref<20480x128xf32, #tpu.memory_space<hbm>> -> memref<20480x128xf32, #tpu.memory_space<hbm>>
        tpu.wait_indirect_dma semaphore(%arg11 : memref<!tpu.dma_semaphore, #tpu.memory_space<semaphore_mem>>) src(%dma_wait3A_207 : memref<20480x128xf32, #tpu.memory_space<hbm>>) dst(%dma_wait3A_201 : memref<80x128xf32, #tpu.memory_space<vmem>>)
        %dma_start3A_208 = arith.constant 3 : i32
        %dma_start3A_209 = arith.constant 0 : i32
        %dma_start3A_210 = arith.constant 0 : i32
        %dma_start3A_211 = tpu.memref_slice %arg10[%dma_start3A_208, %dma_start3A_209, %dma_start3A_210] : memref<4x80x128xf32, #tpu.memory_space<vmem>> -> memref<1x80x128xf32, #tpu.memory_space<vmem>>
        %dma_start3A_212 = tpu.memref_squeeze %dma_start3A_211 : memref<1x80x128xf32, #tpu.memory_space<vmem>> -> memref<80x128xf32, #tpu.memory_space<vmem>>
        %dma_start3A_213 = arith.constant 0 : i32
        %dma_start3A_214 = tpu.memref_slice %arg9[%add3A_184, %dma_start3A_213] : memref<32x80xi32, #tpu.memory_space<vmem>> -> memref<1x80xi32, #tpu.memory_space<vmem>>
        %dma_start3A_215 = tpu.memref_squeeze %dma_start3A_214 : memref<1x80xi32, #tpu.memory_space<vmem>> -> memref<80xi32, #tpu.memory_space<vmem>>
        %dma_start3A_216 = arith.constant 0 : i32
        %dma_start3A_217 = arith.constant 0 : i32
        %dma_start3A_218 = tpu.memref_slice %arg7[%dma_start3A_216, %dma_start3A_217] : memref<10240x128xf32, #tpu.memory_space<vmem_shared>> -> memref<10240x128xf32, #tpu.memory_space<vmem_shared>>
        tpu.enqueue_indirect_dma source(%dma_start3A_212 : memref<80x128xf32, #tpu.memory_space<vmem>>) target(%dma_start3A_218 : memref<10240x128xf32, #tpu.memory_space<vmem_shared>>) offsets(%dma_start3A_215 : memref<80xi32, #tpu.memory_space<vmem>>) semaphore(%arg12 : memref<!tpu.dma_semaphore, #tpu.memory_space<semaphore_mem>>) {add = true}
      }
      %scan3A_46 = arith.constant 8 : i32
      %dma_wait3A = arith.constant 2 : i32
      %dma_wait3A_47 = arith.constant 30 : i32
      %dma_wait3A_48 = arith.constant 0 : i32
      %dma_wait3A_49 = arith.constant 0 : i32
      %dma_wait3A_50 = tpu.memref_slice %arg10[%dma_wait3A, %dma_wait3A_48, %dma_wait3A_49] : memref<4x80x128xf32, #tpu.memory_space<vmem>> -> memref<1x80x128xf32, #tpu.memory_space<vmem>>
      %dma_wait3A_51 = tpu.memref_squeeze %dma_wait3A_50 : memref<1x80x128xf32, #tpu.memory_space<vmem>> -> memref<80x128xf32, #tpu.memory_space<vmem>>
      %dma_wait3A_52 = arith.constant 0 : i32
      %dma_wait3A_53 = tpu.memref_slice %arg9[%dma_wait3A_47, %dma_wait3A_52] : memref<32x80xi32, #tpu.memory_space<vmem>> -> memref<1x80xi32, #tpu.memory_space<vmem>>
      %dma_wait3A_54 = tpu.memref_squeeze %dma_wait3A_53 : memref<1x80xi32, #tpu.memory_space<vmem>> -> memref<80xi32, #tpu.memory_space<vmem>>
      %dma_wait3A_55 = arith.constant 0 : i32
      %dma_wait3A_56 = arith.constant 0 : i32
      %dma_wait3A_57 = tpu.memref_slice %arg7[%dma_wait3A_55, %dma_wait3A_56] : memref<10240x128xf32, #tpu.memory_space<vmem_shared>> -> memref<10240x128xf32, #tpu.memory_space<vmem_shared>>
      tpu.wait_indirect_dma semaphore(%arg12 : memref<!tpu.dma_semaphore, #tpu.memory_space<semaphore_mem>>) src(%dma_wait3A_51 : memref<80x128xf32, #tpu.memory_space<vmem>>) dst(%dma_wait3A_57 : memref<10240x128xf32, #tpu.memory_space<vmem_shared>>)
      %dma_wait3A_58 = arith.constant 3 : i32
      %dma_wait3A_59 = arith.constant 31 : i32
      %dma_wait3A_60 = arith.constant 0 : i32
      %dma_wait3A_61 = arith.constant 0 : i32
      %dma_wait3A_62 = tpu.memref_slice %arg10[%dma_wait3A_58, %dma_wait3A_60, %dma_wait3A_61] : memref<4x80x128xf32, #tpu.memory_space<vmem>> -> memref<1x80x128xf32, #tpu.memory_space<vmem>>
      %dma_wait3A_63 = tpu.memref_squeeze %dma_wait3A_62 : memref<1x80x128xf32, #tpu.memory_space<vmem>> -> memref<80x128xf32, #tpu.memory_space<vmem>>
      %dma_wait3A_64 = arith.constant 0 : i32
      %dma_wait3A_65 = tpu.memref_slice %arg9[%dma_wait3A_59, %dma_wait3A_64] : memref<32x80xi32, #tpu.memory_space<vmem>> -> memref<1x80xi32, #tpu.memory_space<vmem>>
      %dma_wait3A_66 = tpu.memref_squeeze %dma_wait3A_65 : memref<1x80xi32, #tpu.memory_space<vmem>> -> memref<80xi32, #tpu.memory_space<vmem>>
      %dma_wait3A_67 = arith.constant 0 : i32
      %dma_wait3A_68 = arith.constant 0 : i32
      %dma_wait3A_69 = tpu.memref_slice %arg7[%dma_wait3A_67, %dma_wait3A_68] : memref<10240x128xf32, #tpu.memory_space<vmem_shared>> -> memref<10240x128xf32, #tpu.memory_space<vmem_shared>>
      tpu.wait_indirect_dma semaphore(%arg12 : memref<!tpu.dma_semaphore, #tpu.memory_space<semaphore_mem>>) src(%dma_wait3A_63 : memref<80x128xf32, #tpu.memory_space<vmem>>) dst(%dma_wait3A_69 : memref<10240x128xf32, #tpu.memory_space<vmem_shared>>)
    }
    %scan3A_7 = arith.constant 8 : i32
    %barrier3A_8 = arith.constant 0 : index
    tpu.barrier barrier_id(%barrier3A_8)
    %mul3A_9 = arith.constant 640 : i32
    %mul3A_10 = arith.muli %arg1, %mul3A_9 : i32
    "tpu.region"() ({
      %run_scoped3A = tpu.sem_alloc : memref<!tpu.dma_semaphore, #tpu.memory_space<semaphore_mem>>
      %dma_start3A = arith.constant 0 : i32
      %dma_start3A_11 = arith.constant 0 : i32
      %dma_start3A_12 = tpu.memref_slice %arg6[%add3A, %dma_start3A, %dma_start3A_11] : memref<32x640x128xf32, #tpu.memory_space<hbm>> -> memref<1x640x128xf32, #tpu.memory_space<hbm>>
      %dma_start3A_13 = tpu.memref_squeeze %dma_start3A_12 : memref<1x640x128xf32, #tpu.memory_space<hbm>> -> memref<640x128xf32, #tpu.memory_space<hbm>>
      %dma_start3A_14 = arith.constant 0 : i32
      %dma_start3A_15 = tpu.memref_slice %arg7[%mul3A_10, %dma_start3A_14] : memref<10240x128xf32, #tpu.memory_space<vmem_shared>> -> memref<640x128xf32, #tpu.memory_space<vmem_shared>>
      tpu.enqueue_dma source(%dma_start3A_15 : memref<640x128xf32, #tpu.memory_space<vmem_shared>>) target(%dma_start3A_13 : memref<640x128xf32, #tpu.memory_space<hbm>>) target_semaphore(%run_scoped3A : memref<!tpu.dma_semaphore, #tpu.memory_space<semaphore_mem>>)
      %dma_wait3A = arith.constant 0 : i32
      %dma_wait3A_16 = arith.constant 0 : i32
      %dma_wait3A_17 = tpu.memref_slice %arg6[%add3A, %dma_wait3A, %dma_wait3A_16] : memref<32x640x128xf32, #tpu.memory_space<hbm>> -> memref<1x640x128xf32, #tpu.memory_space<hbm>>
      %dma_wait3A_18 = tpu.memref_squeeze %dma_wait3A_17 : memref<1x640x128xf32, #tpu.memory_space<hbm>> -> memref<640x128xf32, #tpu.memory_space<hbm>>
      %dma_wait3A_19 = arith.constant 0 : i32
      %dma_wait3A_20 = tpu.memref_slice %arg7[%mul3A_10, %dma_wait3A_19] : memref<10240x128xf32, #tpu.memory_space<vmem_shared>> -> memref<640x128xf32, #tpu.memory_space<vmem_shared>>
      tpu.wait_dma2 semaphore(%run_scoped3A : memref<!tpu.dma_semaphore, #tpu.memory_space<semaphore_mem>>) src(%dma_wait3A_20 : memref<640x128xf32, #tpu.memory_space<vmem_shared>>) dst(%dma_wait3A_18 : memref<640x128xf32, #tpu.memory_space<hbm>>)
      tpu.yield
    }) : () -> ()
    return
  }
}

module attributes {stable_mosaic.version = 14 : i64} {
  func.func @_mm_body(%arg0: i32, %arg1: memref<640x128xf32, #tpu.memory_space<vmem>>, %arg2: memref<640x128xf32, #tpu.memory_space<vmem>>, %arg3: memref<128x128xf32, #tpu.memory_space<vmem>>, %arg4: memref<640x128xf32, #tpu.memory_space<vmem>>) attributes {dimension_semantics = [#tpu.dimension_semantics<arbitrary>], iteration_bounds = array<i64: 32>, scalar_prefetch = 0 : i64, scratch_operands = 0 : i64, tpu.core_type = #tpu.core_type<tc>, window_params = [{transform_indices = @transform_0, window_bounds = array<i64: 640, 128>}, {transform_indices = @transform_1, window_bounds = array<i64: 640, 128>}, {pipeline_mode = #tpu.pipeline_mode<synchronous>, transform_indices = @transform_2, window_bounds = array<i64: 128, 128>}, {transform_indices = @transform_3, window_bounds = array<i64: 640, 128>}]} {
    %lt3A = arith.constant 16 : i32
    %lt3A_0 = arith.cmpi slt, %arg0, %lt3A : i32
    %get3A = arith.constant 0 : index
    %get3A_1 = arith.constant 0 : index
    %get3A_2 = vector.load %arg1[%get3A, %get3A_1] : memref<640x128xf32, #tpu.memory_space<vmem>>, vector<640x128xf32>
    %get3A_3 = arith.constant 0 : index
    %get3A_4 = arith.constant 0 : index
    %get3A_5 = vector.load %arg2[%get3A_3, %get3A_4] : memref<640x128xf32, #tpu.memory_space<vmem>>, vector<640x128xf32>
    %select_n3A = arith.select %lt3A_0, %get3A_2, %get3A_5 : vector<640x128xf32>
    %get3A_6 = arith.constant 0 : index
    %get3A_7 = arith.constant 0 : index
    %get3A_8 = vector.load %arg3[%get3A_6, %get3A_7] : memref<128x128xf32, #tpu.memory_space<vmem>>, vector<128x128xf32>
    %dot_general3A = arith.constant dense<0.000000e+00> : vector<640x128xf32>
    %dot_general3A_9 = tpu.matmul %select_n3A, %get3A_8, %dot_general3A {dimension_numbers = #tpu.dot_dimension_numbers<[1], [0], [0], [1], [0, 0, 1, 1], [], []>, transpose_lhs_hint = false} : vector<640x128xf32>, vector<128x128xf32>, vector<640x128xf32> -> vector<640x128xf32>
    %swap3A = arith.constant 0 : index
    %swap3A_10 = arith.constant 0 : index
    %swap3A_11 = vector.load %arg4[%swap3A, %swap3A_10] : memref<640x128xf32, #tpu.memory_space<vmem>>, vector<640x128xf32>
    tpu.vector_store %arg4[%swap3A, %swap3A_10], %dot_general3A_9 {strides = array<i32>} : memref<640x128xf32, #tpu.memory_space<vmem>>, vector<640x128xf32>,
    return
  }
  func.func @transform_0(%arg0: i32) -> (i32, i32) {
    %min3A = arith.constant 15 : i32
    %min3A_0 = arith.minsi %arg0, %min3A : i32
    %c0_i32 = arith.constant 0 : i32
    %c0_i32_1 = arith.constant 0 : i32
    return %min3A_0, %c0_i32 : i32, i32
  }
  func.func @transform_1(%arg0: i32) -> (i32, i32) {
    %sub3A = arith.constant 16 : i32
    %sub3A_0 = arith.subi %arg0, %sub3A : i32
    %max3A = arith.constant 0 : i32
    %max3A_1 = arith.maxsi %sub3A_0, %max3A : i32
    %min3A = arith.constant 15 : i32
    %min3A_2 = arith.minsi %max3A_1, %min3A : i32
    %c0_i32 = arith.constant 0 : i32
    %c0_i32_3 = arith.constant 0 : i32
    return %min3A_2, %c0_i32 : i32, i32
  }
  func.func @transform_2(%arg0: i32) -> (i32, i32) {
    %c0_i32 = arith.constant 0 : i32
    %c0_i32_0 = arith.constant 0 : i32
    %c0_i32_1 = arith.constant 0 : i32
    return %c0_i32, %c0_i32_0 : i32, i32
  }
  func.func @transform_3(%arg0: i32) -> (i32, i32) {
    %c0_i32 = arith.constant 0 : i32
    %c0_i32_0 = arith.constant 0 : i32
    return %arg0, %c0_i32 : i32, i32
  }
}

module attributes {stable_mosaic.version = 14 : i64} {
  func.func @_scale_body(%arg0: i32, %arg1: memref<640x128xf32, #tpu.memory_space<vmem>>, %arg2: memref<640x2xf32, #tpu.memory_space<vmem>>, %arg3: memref<640x128xf32, #tpu.memory_space<vmem>>) attributes {dimension_semantics = [#tpu.dimension_semantics<arbitrary>], iteration_bounds = array<i64: 32>, scalar_prefetch = 0 : i64, scratch_operands = 0 : i64, tpu.core_type = #tpu.core_type<tc>, window_params = [{transform_indices = @transform_0, window_bounds = array<i64: 640, 128>}, {transform_indices = @transform_1, window_bounds = array<i64: 640, 2>}, {transform_indices = @transform_2, window_bounds = array<i64: 640, 128>}]} {
    %get3A = arith.constant 0 : index
    %get3A_0 = arith.constant 0 : index
    %get3A_1 = vector.load %arg2[%get3A, %get3A_0] : memref<640x2xf32, #tpu.memory_space<vmem>>, vector<640x1xf32>
    %get3A_2 = arith.constant 0 : index
    %get3A_3 = arith.constant 1 : index
    %get3A_4 = vector.load %arg2[%get3A_2, %get3A_3] : memref<640x2xf32, #tpu.memory_space<vmem>>, vector<640x1xf32>
    %add3A = arith.addf %get3A_1, %get3A_4 : vector<640x1xf32>
    %add3A_5 = arith.constant 1.000000e+00 : f32
    %add3A_6 = vector.broadcast %add3A_5 : f32 to vector<640x1xf32>
    %add3A_7 = arith.addf %add3A, %add3A_6 : vector<640x1xf32>
    %max3A = arith.constant 9.99999996E-13 : f32
    %max3A_8 = vector.broadcast %max3A : f32 to vector<640x1xf32>
    %max3A_9 = arith.maximumf %add3A_7, %max3A_8 : vector<640x1xf32>
    %rsqrt3A = math.rsqrt %max3A_9 : vector<640x1xf32>
    %get3A_10 = arith.constant 0 : index
    %get3A_11 = arith.constant 0 : index
    %get3A_12 = vector.load %arg1[%get3A_10, %get3A_11] : memref<640x128xf32, #tpu.memory_space<vmem>>, vector<640x128xf32>
    %mul3A = vector.broadcast %rsqrt3A : vector<640x1xf32> to vector<640x128xf32>
    %mul3A_13 = arith.mulf %get3A_12, %mul3A : vector<640x128xf32>
    %swap3A = arith.constant 0 : index
    %swap3A_14 = arith.constant 0 : index
    %swap3A_15 = vector.load %arg3[%swap3A, %swap3A_14] : memref<640x128xf32, #tpu.memory_space<vmem>>, vector<640x128xf32>
    tpu.vector_store %arg3[%swap3A, %swap3A_14], %mul3A_13 {strides = array<i32>} : memref<640x128xf32, #tpu.memory_space<vmem>>, vector<640x128xf32>,
    return
  }
  func.func @transform_0(%arg0: i32) -> (i32, i32) {
    %c0_i32 = arith.constant 0 : i32
    %c0_i32_0 = arith.constant 0 : i32
    return %arg0, %c0_i32 : i32, i32
  }
  func.func @transform_1(%arg0: i32) -> (i32, i32) {
    %rem3A = arith.constant 16 : i32
    %rem3A_0 = arith.remsi %arg0, %rem3A : i32
    %c0_i32 = arith.constant 0 : i32
    %c0_i32_1 = arith.constant 0 : i32
    return %rem3A_0, %c0_i32 : i32, i32
  }
  func.func @transform_2(%arg0: i32) -> (i32, i32) {
    %c0_i32 = arith.constant 0 : i32
    %c0_i32_0 = arith.constant 0 : i32
    return %arg0, %c0_i32 : i32, i32
  }
}

module attributes {stable_mosaic.version = 14 : i64} {
  func.func @_epi_body(%arg0: i32, %arg1: memref<640x128xf32, #tpu.memory_space<vmem>>, %arg2: memref<640x128xf32, #tpu.memory_space<vmem>>, %arg3: memref<640x2xf32, #tpu.memory_space<vmem>>, %arg4: memref<1x128xf32, #tpu.memory_space<vmem>>, %arg5: memref<1x1xf32, #tpu.memory_space<vmem>>, %arg6: memref<128x128xf32, #tpu.memory_space<vmem>>, %arg7: memref<1x1xf32, #tpu.memory_space<vmem>>, %arg8: memref<640x1xf32, #tpu.memory_space<vmem>>, %arg9: memref<20480x128xf32, #tpu.memory_space<vmem>>, %arg10: memref<1x128xf32, #tpu.memory_space<vmem>>) attributes {dimension_semantics = [#tpu.dimension_semantics<arbitrary>], iteration_bounds = array<i64: 64>, scalar_prefetch = 0 : i64, scratch_operands = 2 : i64, tpu.core_type = #tpu.core_type<tc>, window_params = [{transform_indices = @transform_0, window_bounds = array<i64: 640, 128>}, {transform_indices = @transform_1, window_bounds = array<i64: 640, 128>}, {transform_indices = @transform_2, window_bounds = array<i64: 640, 2>}, {pipeline_mode = #tpu.pipeline_mode<synchronous>, transform_indices = @transform_3, window_bounds = array<i64: 1, 128>}, {pipeline_mode = #tpu.pipeline_mode<synchronous>, transform_indices = @transform_4, window_bounds = array<i64: 1, 1>}, {pipeline_mode = #tpu.pipeline_mode<synchronous>, transform_indices = @transform_5, window_bounds = array<i64: 128, 128>}, {pipeline_mode = #tpu.pipeline_mode<synchronous>, transform_indices = @transform_6, window_bounds = array<i64: 1, 1>}, {transform_indices = @transform_7, window_bounds = array<i64: 640, 1>}]} {
    %lt3A = arith.constant 32 : i32
    %lt3A_0 = arith.cmpi slt, %arg0, %lt3A : i32
    %convert_element_type3A = arith.extui %lt3A_0 : i1 to i32
    %cond3A = arith.constant 0 : i32
    %cond3A_1 = arith.cmpi ne, %convert_element_type3A, %cond3A : i32
    scf.if %cond3A_1 {
      %get3A = arith.constant 0 : index
      %get3A_6 = arith.constant 0 : index
      %get3A_7 = vector.load %arg3[%get3A, %get3A_6] : memref<640x2xf32, #tpu.memory_space<vmem>>, vector<640x1xf32>
      %get3A_8 = arith.constant 0 : index
      %get3A_9 = arith.constant 1 : index
      %get3A_10 = vector.load %arg3[%get3A_8, %get3A_9] : memref<640x2xf32, #tpu.memory_space<vmem>>, vector<640x1xf32>
      %add3A = arith.addf %get3A_7, %get3A_10 : vector<640x1xf32>
      %add3A_11 = arith.constant 1.000000e+00 : f32
      %add3A_12 = vector.broadcast %add3A_11 : f32 to vector<640x1xf32>
      %add3A_13 = arith.addf %add3A, %add3A_12 : vector<640x1xf32>
      %max3A = arith.constant 9.99999996E-13 : f32
      %max3A_14 = vector.broadcast %max3A : f32 to vector<640x1xf32>
      %max3A_15 = arith.maximumf %add3A_13, %max3A_14 : vector<640x1xf32>
      %rsqrt3A = math.rsqrt %max3A_15 : vector<640x1xf32>
      %get3A_16 = arith.constant 0 : index
      %get3A_17 = arith.constant 0 : index
      %get3A_18 = vector.load %arg1[%get3A_16, %get3A_17] : memref<640x128xf32, #tpu.memory_space<vmem>>, vector<640x128xf32>
      %get3A_19 = arith.constant 0 : index
      %get3A_20 = arith.constant 0 : index
      %get3A_21 = vector.load %arg2[%get3A_19, %get3A_20] : memref<640x128xf32, #tpu.memory_space<vmem>>, vector<640x128xf32>
      %add3A_22 = arith.addf %get3A_18, %get3A_21 : vector<640x128xf32>
      %mul3A = vector.broadcast %rsqrt3A : vector<640x1xf32> to vector<640x128xf32>
      %mul3A_23 = arith.mulf %add3A_22, %mul3A : vector<640x128xf32>
      %get3A_24 = arith.constant 0 : index
      %get3A_25 = arith.constant 0 : index
      %get3A_26 = vector.load %arg4[%get3A_24, %get3A_25] : memref<1x128xf32, #tpu.memory_space<vmem>>, vector<1x128xf32>
      %add3A_27 = vector.broadcast %get3A_26 : vector<1x128xf32> to vector<640x128xf32>
      %add3A_28 = arith.addf %mul3A_23, %add3A_27 : vector<640x128xf32>
      %get3A_29 = arith.constant 0 : index
      %get3A_30 = arith.constant 0 : index
      %get3A_31 = vector.load %arg5[%get3A_29, %get3A_30] : memref<1x1xf32, #tpu.memory_space<vmem>>, vector<1x1xf32>
      %get3A_32 = vector.extract %get3A_31[0, 0] : f32 from vector<1x1xf32>
      %gt3A = arith.constant 0.000000e+00 : f32
      %gt3A_33 = vector.broadcast %gt3A : f32 to vector<640x128xf32>
      %gt3A_34 = arith.cmpf ogt, %add3A_28, %gt3A_33 : vector<640x128xf32>
      %mul3A_35 = vector.broadcast %get3A_32 : f32 to vector<640x128xf32>
      %mul3A_36 = arith.mulf %mul3A_35, %add3A_28 : vector<640x128xf32>
      %select_n3A = arith.select %gt3A_34, %add3A_28, %mul3A_36 : vector<640x128xi1>, vector<640x128xf32>
      %mul3A_37 = arith.constant 640 : i32
      %mul3A_38 = arith.muli %arg0, %mul3A_37 : i32
      %swap3A = arith.index_cast %mul3A_38 : i32 to index
      %swap3A_39 = arith.constant 0 : index
      %swap3A_40 = vector.load %arg9[%swap3A, %swap3A_39] : memref<20480x128xf32, #tpu.memory_space<vmem>>, vector<640x128xf32>
      tpu.vector_store %arg9[%swap3A, %swap3A_39], %select_n3A {strides = array<i32>} : memref<20480x128xf32, #tpu.memory_space<vmem>>, vector<640x128xf32>,
      %lt3A_41 = arith.constant 16 : i32
      %lt3A_42 = arith.cmpi slt, %arg0, %lt3A_41 : i32
      %convert_element_type3A_43 = arith.extui %lt3A_42 : i1 to i32
      %cond3A_44 = arith.constant 0 : i32
      %cond3A_45 = arith.cmpi ne, %convert_element_type3A_43, %cond3A_44 : i32
      scf.if %cond3A_45 {
        %mul3A_46 = arith.constant 640 : i32
        %mul3A_47 = arith.muli %arg0, %mul3A_46 : i32
        %iota3A = tpu.iota {dimensions = array<i32: 0>} : vector<640x1xi32>
        %add3A_48 = vector.broadcast %mul3A_47 : i32 to vector<640x1xi32>
        %add3A_49 = arith.addi %add3A_48, %iota3A : vector<640x1xi32>
        %lt3A_50 = arith.constant 10000 : i32
        %lt3A_51 = vector.broadcast %lt3A_50 : i32 to vector<640x1xi32>
        %lt3A_52 = arith.cmpi slt, %add3A_49, %lt3A_51 : vector<640x1xi32>
        %jit3A = arith.constant 0.000000e+00 : f32
        %broadcast_in_dim3A = vector.shape_cast %lt3A_52 : vector<640x1xi1> to vector<640x1xi1>
        %broadcast_in_dim3A_53 = vector.broadcast %broadcast_in_dim3A : vector<640x1xi1> to vector<640x128xi1>
        %broadcast_in_dim3A_54 = vector.broadcast %jit3A : f32 to vector<640x128xf32>
        %select_n3A_55 = arith.select %broadcast_in_dim3A_53, %select_n3A, %broadcast_in_dim3A_54 : vector<640x128xi1>, vector<640x128xf32>
        %reduce_sum3A = arith.constant dense<0.000000e+00> : vector<128xf32>
        %reduce_sum3A_56 = vector.multi_reduction <add>, %select_n3A_55, %reduce_sum3A [0] : vector<640x128xf32> to vector<128xf32>
        %broadcast_in_dim3A_57 = vector.shape_cast %reduce_sum3A_56 : vector<128xf32> to vector<1x128xf32>
        %eq3A = arith.constant 0 : i32
        %eq3A_58 = arith.cmpi eq, %arg0, %eq3A : i32
        %convert_element_type3A_59 = arith.extui %eq3A_58 : i1 to i32
        %cond3A_60 = arith.constant 0 : i32
        %cond3A_61 = arith.cmpi ne, %convert_element_type3A_59, %cond3A_60 : i32
        scf.if %cond3A_61 {
          %swap3A_67 = arith.constant 0 : index
          %swap3A_68 = arith.constant 0 : index
          %swap3A_69 = vector.load %arg10[%swap3A_67, %swap3A_68] : memref<1x128xf32, #tpu.memory_space<vmem>>, vector<1x128xf32>
          tpu.vector_store %arg10[%swap3A_67, %swap3A_68], %broadcast_in_dim3A_57 {strides = array<i32>} : memref<1x128xf32, #tpu.memory_space<vmem>>, vector<1x128xf32>,
        } else {
        }
        %gt3A_62 = arith.constant 0 : i32
        %gt3A_63 = arith.cmpi sgt, %arg0, %gt3A_62 : i32
        %convert_element_type3A_64 = arith.extui %gt3A_63 : i1 to i32
        %cond3A_65 = arith.constant 0 : i32
        %cond3A_66 = arith.cmpi ne, %convert_element_type3A_64, %cond3A_65 : i32
        scf.if %cond3A_66 {
          %get3A_67 = arith.constant 0 : index
          %get3A_68 = arith.constant 0 : index
          %get3A_69 = vector.load %arg10[%get3A_67, %get3A_68] : memref<1x128xf32, #tpu.memory_space<vmem>>, vector<1x128xf32>
          %add3A_70 = arith.addf %get3A_69, %broadcast_in_dim3A_57 : vector<1x128xf32>
          %swap3A_71 = arith.constant 0 : index
          %swap3A_72 = arith.constant 0 : index
          %swap3A_73 = vector.load %arg10[%swap3A_71, %swap3A_72] : memref<1x128xf32, #tpu.memory_space<vmem>>, vector<1x128xf32>
          tpu.vector_store %arg10[%swap3A_71, %swap3A_72], %add3A_70 {strides = array<i32>} : memref<1x128xf32, #tpu.memory_space<vmem>>, vector<1x128xf32>,
        } else {
        }
      } else {
      }
    } else {
    }
    %ge3A = arith.constant 32 : i32
    %ge3A_2 = arith.cmpi sge, %arg0, %ge3A : i32
    %convert_element_type3A_3 = arith.extui %ge3A_2 : i1 to i32
    %cond3A_4 = arith.constant 0 : i32
    %cond3A_5 = arith.cmpi ne, %convert_element_type3A_3, %cond3A_4 : i32
    scf.if %cond3A_5 {
      %sub3A = arith.constant 32 : i32
      %sub3A_6 = arith.subi %arg0, %sub3A : i32
      %get3A = arith.constant 0 : index
      %get3A_7 = arith.constant 0 : index
      %get3A_8 = vector.load %arg10[%get3A, %get3A_7] : memref<1x128xf32, #tpu.memory_space<vmem>>, vector<1x128xf32>
      %mul3A = arith.constant 9.99999974E-5 : f32
      %mul3A_9 = vector.broadcast %mul3A : f32 to vector<1x128xf32>
      %mul3A_10 = arith.mulf %get3A_8, %mul3A_9 : vector<1x128xf32>
      %neg3A = arith.constant 0.000000e+00 : f32
      %neg3A_11 = vector.broadcast %neg3A : f32 to vector<1x128xf32>
      %neg3A_12 = arith.subf %neg3A_11, %mul3A_10 : vector<1x128xf32>
      %exp3A = math.exp %neg3A_12 : vector<1x128xf32>
      %add3A = arith.constant 1.000000e+00 : f32
      %add3A_13 = vector.broadcast %add3A : f32 to vector<1x128xf32>
      %add3A_14 = arith.addf %add3A_13, %exp3A : vector<1x128xf32>
      %div3A = arith.constant 1.000000e+00 : f32
      %div3A_15 = vector.broadcast %div3A : f32 to vector<1x128xf32>
      %div3A_16 = arith.divf %div3A_15, %add3A_14 : vector<1x128xf32>
      %get3A_17 = arith.constant 0 : index
      %get3A_18 = arith.constant 0 : index
      %get3A_19 = vector.load %arg6[%get3A_17, %get3A_18] : memref<128x128xf32, #tpu.memory_space<vmem>>, vector<128x128xf32>
      %dot_general3A = arith.constant dense<0.000000e+00> : vector<1x128xf32>
      %dot_general3A_20 = tpu.matmul %div3A_16, %get3A_19, %dot_general3A {dimension_numbers = #tpu.dot_dimension_numbers<[1], [0], [0], [1], [0, 0, 1, 1], [], []>, transpose_lhs_hint = false} : vector<1x128xf32>, vector<128x128xf32>, vector<1x128xf32> -> vector<1x128xf32>
      %mul3A_21 = arith.constant 640 : i32
      %mul3A_22 = arith.muli %sub3A_6, %mul3A_21 : i32
      %get3A_23 = arith.index_cast %mul3A_22 : i32 to index
      %get3A_24 = arith.constant 0 : index
      %get3A_25 = vector.load %arg9[%get3A_23, %get3A_24] : memref<20480x128xf32, #tpu.memory_space<vmem>>, vector<640x128xf32>
      %mul3A_26 = vector.broadcast %dot_general3A_20 : vector<1x128xf32> to vector<640x128xf32>
      %mul3A_27 = arith.mulf %get3A_25, %mul3A_26 : vector<640x128xf32>
      %reduce_sum3A = arith.constant dense<0.000000e+00> : vector<640xf32>
      %reduce_sum3A_28 = vector.multi_reduction <add>, %mul3A_27, %reduce_sum3A [1] : vector<640x128xf32> to vector<640xf32>
      %broadcast_in_dim3A = vector.shape_cast %reduce_sum3A_28 : vector<640xf32> to vector<640x1xf32>
      %get3A_29 = arith.constant 0 : index
      %get3A_30 = arith.constant 0 : index
      %get3A_31 = vector.load %arg7[%get3A_29, %get3A_30] : memref<1x1xf32, #tpu.memory_space<vmem>>, vector<1x1xf32>
      %add3A_32 = vector.broadcast %get3A_31 : vector<1x1xf32> to vector<640x1xf32>
      %add3A_33 = arith.addf %broadcast_in_dim3A, %add3A_32 : vector<640x1xf32>
      %swap3A = arith.constant 0 : index
      %swap3A_34 = arith.constant 0 : index
      %swap3A_35 = vector.load %arg8[%swap3A, %swap3A_34] : memref<640x1xf32, #tpu.memory_space<vmem>>, vector<640x1xf32>
      tpu.vector_store %arg8[%swap3A, %swap3A_34], %add3A_33 {strides = array<i32>} : memref<640x1xf32, #tpu.memory_space<vmem>>, vector<640x1xf32>,
    } else {
    }
    return
  }
  func.func @transform_0(%arg0: i32) -> (i32, i32) {
    %min3A = arith.constant 31 : i32
    %min3A_0 = arith.minsi %arg0, %min3A : i32
    %c0_i32 = arith.constant 0 : i32
    %c0_i32_1 = arith.constant 0 : i32
    return %min3A_0, %c0_i32 : i32, i32
  }
  func.func @transform_1(%arg0: i32) -> (i32, i32) {
    %min3A = arith.constant 31 : i32
    %min3A_0 = arith.minsi %arg0, %min3A : i32
    %c0_i32 = arith.constant 0 : i32
    %c0_i32_1 = arith.constant 0 : i32
    return %min3A_0, %c0_i32 : i32, i32
  }
  func.func @transform_2(%arg0: i32) -> (i32, i32) {
    %rem3A = arith.constant 16 : i32
    %rem3A_0 = arith.remsi %arg0, %rem3A : i32
    %c0_i32 = arith.constant 0 : i32
    %c0_i32_1 = arith.constant 0 : i32
    return %rem3A_0, %c0_i32 : i32, i32
  }
  func.func @transform_3(%arg0: i32) -> (i32, i32) {
    %c0_i32 = arith.constant 0 : i32
    %c0_i32_0 = arith.constant 0 : i32
    %c0_i32_1 = arith.constant 0 : i32
    return %c0_i32, %c0_i32_0 : i32, i32
  }
  func.func @transform_4(%arg0: i32) -> (i32, i32) {
    %c0_i32 = arith.constant 0 : i32
    %c0_i32_0 = arith.constant 0 : i32
    %c0_i32_1 = arith.constant 0 : i32
    return %c0_i32, %c0_i32_0 : i32, i32
  }
  func.func @transform_5(%arg0: i32) -> (i32, i32) {
    %c0_i32 = arith.constant 0 : i32
    %c0_i32_0 = arith.constant 0 : i32
    %c0_i32_1 = arith.constant 0 : i32
    return %c0_i32, %c0_i32_0 : i32, i32
  }
  func.func @transform_6(%arg0: i32) -> (i32, i32) {
    %c0_i32 = arith.constant 0 : i32
    %c0_i32_0 = arith.constant 0 : i32
    %c0_i32_1 = arith.constant 0 : i32
    return %c0_i32, %c0_i32_0 : i32, i32
  }
  func.func @transform_7(%arg0: i32) -> (i32, i32) {
    %rem3A = arith.constant 32 : i32
    %rem3A_0 = arith.remsi %arg0, %rem3A : i32
    %c0_i32 = arith.constant 0 : i32
    %c0_i32_1 = arith.constant 0 : i32
    return %rem3A_0, %c0_i32 : i32, i32
  }
}

</mosaic_0001>

<sc_bundles>
// kernel: agg.3.cloned.1.call-start
scs
__scs_entry_jumppad:
0x0: {  	(pc) =	sbr.rel $0x88, $3  }
0x1: {  	(tag) =	ssettag $0x0;
	lr =	simm.s32 $0x1  }
0x2: {  	[smem:$0x3F99] =	sst lr;
	_ =	strace $0xD0000000  }
0x3: {  	_ = 	snop  }
0x4: {  	_ = 	snop  }
0x5: {  	_ = 	snop  }
0x6: {  	_ = 	snop  }
0x7: {  	_ = 	snop  }
__scs_overlays_trampoline_lowered:
0x8: {  	[smem:$0x3FA8] =	sst s0  }
0x9: {  	[smem:$0x3FA9] =	sst s1  }
0xa: {  	[smem:$0x3FAA] =	sst s2  }
0xb: {  	[smem:$0x3FAB] =	sst s3  }
0xc: {  	[smem:$0x3FAC] =	sst s4  }
0xd: {  	[smem:$0x3FAD] =	sst s5  }
0xe: {  	[smem:$0x3FAE] =	sst s6  }
0xf: {  	[smem:$0x3FAF] =	sst s7  }
0x10: {  	[smem:$0x3FB0] =	sst s8  }
0x11: {  	[smem:$0x3FB1] =	sst s9;
	s0 =	simm.s32 @!p0 $0x0  }
0x12: {  	s1 =	sld [smem:$0x3F97];
	s0 =	simm.s32 @p0 $0x1  }
0x13: {  	[smem:$0x3FB2] =	sst s0;
	s0 =	simm.s32 @!p1 $0x0  }
0x14: {  	s2 =	sld [smem:$0x3F96];
	s0 =	simm.s32 @p1 $0x1  }
0x15: {  	[smem:$0x3FB3] =	sst s0;
	s0 =	simm.s32 @!p2 $0x0  }
0x16: {  	s3 =	sld [smem:$0x3FDB];
	s0 =	simm.s32 @p2 $0x1  }
0x17: {  	s4 =	simm.s32 $0x1BF5;
	[smem:$0x3FB5] =	sst s0  }
0x18: {  	s0 =	sld [smem:$0x3F98];
	_ =	swait.ge [sflag:s4], $0x0  }
0x19: {  	s7 =	sld [smem:$0x3F99]  }
0x1a: {  	s8 =	sadd.s32 $0xFFFFE003, lr  }
0x1b: {  	s9 =	sadd.s32 $0xFFFFFEF7, lr;
	s5 =	simm.s32 $0xFFFFFFFF;
	p2 =	slt.u32 s8, $0xFFFFF086  }
0x1c: {  	p1 =	slt.u32 s9, $0xF7A;
	s5 =	simm.s32 @!p2 $0x0  }
0x1d: {  	s5 =	simm.s32 @p1 $0x1;
	p0 =	seq.s32 s7, s2  }
0x1e: {  	s7 =	smul.u32 @!p0 $0xF7A, s2;
	p2 =	seq.s32 @!p0 s5, $0x0  }
0x1f: {  	s9 =	smul.u32 $0xF7A, s1;
	s8 =	simm.s32 @!p0 $0x1BF5;
	p2 =	por !p2, p0  }
0x20: {  	[sflag:s8] =	ssyncset.s32 @!p0 $0xFFFFF086;
	s6 =	sadd.s32 @!p0 s3, s7;
	s7 =	simm.s32 @!p0 $0x108  }
0x21: {  	s3 =	sadd.s32 s3, s9;
	s6 =	sadd.s32 @!p0 $0x88, s6;
	s7 =	simm.s32 @p2 $0x1082  }
0x22: {  	[simem:s7], [sflag:s8] =	dma.local @!p0 [hbm:s6], $0xF7A  }
0x23: {  	s9 =	sor.u32 $0xD0000000, s2;
	s6 =	simm.s32 $0x108;
	_ =	swait.ge @!p0 [sflag:s8], $0x0  }
0x24: {  	s3 =	sadd.s32 $0x88, s3;
	s6 =	simm.s32 @!p1 $0x1082;
	[sflag:s4] =	ssyncset.s32 $0xFFFFF086  }
0x25: {  	[simem:s6], [sflag:s4] =	dma.local [hbm:s3], $0xF7A  }
0x26: {  	[smem:$0x3F99] =	sst s1;
	(tag) =	ssettag s2;
	_ =	strace s9  }
0x27: {  	s1 =	sld [smem:$0x3FA9]  }
0x28: {  	s2 =	sld [smem:$0x3FAA]  }
0x29: {  	s4 =	sld [smem:$0x3FAC]  }
0x2a: {  	p0 =	seq.s32 s5, $0x0;
	s5 =	sld [smem:$0x3FAD]  }
0x2b: {  	s6 =	sld [smem:$0x3FAE]  }
0x2c: {  	s7 =	sld [smem:$0x3FAF]  }
0x2d: {  	s3 =	simm.s32 $0x108;
	s8 =	sld [smem:$0x3FB0]  }
0x2e: {  	s3 =	simm.s32 @!p0 $0x1082;
	s9 =	sld [smem:$0x3FB1]  }
0x2f: {  	lr =	sadd.s32 s0, s3;
	s0 =	sld [smem:$0x3FA8]  }
0x30: {  	s3 =	sld [smem:$0x3FAB]  }
0x31: {  	[smem:$0x3FB4] =	sst s10  }
0x32: {  	s10 =	sld [smem:$0x3FB2];
	_ =	sdelay $0x3  }
0x33: {  	p0 =	seq.s32 s10, $0x1;
	s10 =	sld [smem:$0x3FB4];
	_ =	sdelay $0x3  }
0x34: {  	[smem:$0x3FB4] =	sst s10  }
0x35: {  	s10 =	sld [smem:$0x3FB3];
	_ =	sdelay $0x3  }
0x36: {  	p1 =	seq.s32 s10, $0x1;
	s10 =	sld [smem:$0x3FB4];
	_ =	sdelay $0x3  }
0x37: {  	[smem:$0x3FB4] =	sst s10  }
0x38: {  	s10 =	sld [smem:$0x3FB5]  }
0x39: {  	_ = 	snop;
	(pc) =	sbr.ind lr, $3  }
0x3a: {  	_ = 	snop  }
0x3b: {  	_ = 	snop  }
0x3c: {  	p2 =	seq.s32 s10, $0x1;
	s10 =	sld [smem:$0x3FB4]  }
0x3d: {  	_ =	shalt  }
0x3e: {  	_ =	shalt  }
0x3f: {  	_ =	shalt  }
0x40: {  	_ =	shalt  }
0x41: {  	_ =	shalt  }
0x42: {  	_ =	shalt  }
0x43: {  	_ =	shalt  }
0x44: {  	_ =	shalt  }
0x45: {  	_ =	shalt  }
0x46: {  	_ =	shalt  }
0x47: {  	_ =	shalt  }
0x48: {  	_ =	shalt  }
0x49: {  	_ =	shalt  }
0x4a: {  	_ =	shalt  }
0x4b: {  	_ =	shalt  }
0x4c: {  	_ =	shalt  }
0x4d: {  	_ =	shalt  }
0x4e: {  	_ =	shalt  }
0x4f: {  	_ =	shalt  }
0x50: {  	_ =	shalt  }
0x51: {  	_ =	shalt  }
0x52: {  	_ =	shalt  }
0x53: {  	_ =	shalt  }
0x54: {  	_ =	shalt  }
0x55: {  	_ =	shalt  }
0x56: {  	_ =	shalt  }
0x57: {  	_ =	shalt  }
0x58: {  	_ =	shalt  }
0x59: {  	_ =	shalt  }
0x5a: {  	_ =	shalt  }
0x5b: {  	_ =	shalt  }
0x5c: {  	_ =	shalt  }
0x5d: {  	_ =	shalt  }
0x5e: {  	_ =	shalt  }
0x5f: {  	_ =	shalt  }
0x60: {  	_ =	shalt  }
0x61: {  	_ =	shalt  }
0x62: {  	_ =	shalt  }
0x63: {  	_ =	shalt  }
0x64: {  	_ =	shalt  }
0x65: {  	_ =	shalt  }
0x66: {  	_ =	shalt  }
0x67: {  	_ =	shalt  }
0x68: {  	_ =	shalt  }
0x69: {  	_ =	shalt  }
0x6a: {  	_ =	shalt  }
0x6b: {  	_ =	shalt  }
0x6c: {  	_ =	shalt  }
0x6d: {  	_ =	shalt  }
0x6e: {  	_ =	shalt  }
0x6f: {  	_ =	shalt  }
0x70: {  	_ =	shalt  }
0x71: {  	_ =	shalt  }
0x72: {  	_ =	shalt  }
0x73: {  	_ =	shalt  }
0x74: {  	_ =	shalt  }
0x75: {  	_ =	shalt  }
0x76: {  	_ =	shalt  }
0x77: {  	_ =	shalt  }
0x78: {  	_ =	shalt  }
0x79: {  	_ =	shalt  }
0x7a: {  	_ =	shalt  }
0x7b: {  	_ =	shalt  }
0x7c: {  	_ =	shalt  }
0x7d: {  	_ =	shalt  }
0x7e: {  	_ =	shalt  }
0x7f: {  	_ =	shalt  }
0x80: {  	_ =	shalt  }
0x81: {  	_ =	shalt  }
0x82: {  	_ =	shalt  }
0x83: {  	_ =	shalt  }
0x84: {  	_ =	shalt  }
0x85: {  	_ =	shalt  }
0x86: {  	_ =	shalt  }
0x87: {  	_ =	shalt  }
.Lfunc_end0:
.L_simem_size_0:
called_computation.1_lowered:
.L_overlay_start_0:
0x88: {  	s2 =	sld [smem:$0x3FD9]  }
0x89: {  	s3 =	sld [smem:$0x3FFE];
	_ =	sdelay $0x1  }
0x8a: {  	s1 =	srdreg.scid  }
0x8b: {  	s0 =	sand.u32 $0x1, s1  }
0x8c: {  	s16 =	sshll.u32 s0, $0xA;
	s2 =	sadd.s32 s3, s2  }
0x8d: {  	s2 =	sadd.s32 s2, s16  }
0x8e: {  	[smem:$0x3FC0] =	sst s2  }
0x8f: {  	_ = 	snop  }
0x90: {  	(tm) =	ssettm $0x1  }
0x91: {  	s17 =	sld [smem:$0x3FFB];
	_ =	sdelay $0x3  }
0x92: {  	_ =	strace s17  }
0x93: {  	s2 =	sld [smem:$0x3FFC];
	_ =	sdelay $0x3  }
0x94: {  	_ =	strace s2  }
0x95: {  	s2 =	sld [smem:$0x3FFD];
	_ =	sdelay $0x3  }
0x96: {  	_ =	strace s2  }
0x97: {  	_ =	strace $0x8FFFFFFF  }
0x98: {  	s18 =	sld [smem:$0x3FDB];
	_ =	sdelay $0x1  }
0x99: {  	s19 =	simm.s32 $_scs_section_size  }
0x9a: {  	s4 =	simm.s32 $_size__tile_overlayer_lowered;
	s5 =	simm.s32 $_tile_overlayer_lowered  }
0x9b: {  	s22 =	simm.s32 $0x1BFF;
	s21 =	sshll.u32 s5, $0x1;
	s2 =	sadd.s32 s19, s18  }
0x9c: {  	s6 =	simm.s32 $0x0;
	s20 =	sshll.u32 s4, $0x1;
	s4 =	sadd.s32 s21, s2  }
0x9d: {  	[timem:s6], [sflag:s22] =	dma.local [hbm:s4], s20  }
0x9e: {  	_ =	swait.ge [sflag:s22], s20  }
0x9f: {  	s3 =	ssub.s32 $0x0, s20;
	[sflag:s22] =	ssyncset.done $0x0  }
0xa0: {  	[sflag:s22] =	ssyncadd.s32 s3;
	_ =	sdelay $0x1  }
0xa1: {  	s23 =	simm.s32 $0x1B8B  }
0xa2: {  	_ =	swait.ge [sflag:s23], $0x1  }
0xa3: {  	[sflag:s23] =	ssyncset.done $0x0  }
0xa4: {  	s25 =	simm.s32 $0x1B8E;
	s24 =	sld [smem:$0x3FFE];
	[sflag:s23] =	ssyncadd.s32 $0xFFFFFFFF  }
0xa5: {  	s26 =	simm.s32 $execute0_lowered;
	[smem:$0x3FD2] =	sst s25  }
0xa6: {  	s4 =	sshll.u32 s26, $0x1;
	_ =	strace $0x80000049;
	[dreg:$0x1] =	wrdreg $0xFFFFFFFF  }
0xa7: {  	s28 =	simm.s32 $_size_execute0_lowered;
	s2 =	sadd.s32 s2, s4;
	[dreg:$0x0] =	wrdreg $0x0  }
0xa8: {  	s4 =	sshll.u32 s28, $0x1;
	[dreg:$0x2] =	wrdreg s2  }
0xa9: {  	[dreg:$0x3] =	wrdreg s4  }
0xaa: {  	[dreg:$0x4] =	wrdreg $0xC0  }
0xab: {  	_ =	task [dreg:s6], $0x5FFFF  }
0xac: {  	[dreg:$0x1] =	wrdreg $0xFFFFFFFF  }
0xad: {  	[dreg:$0x0] =	wrdreg $0x60  }
0xae: {  	[dreg:$0x2] =	wrdreg s24  }
0xaf: {  	[dreg:$0x3] =	wrdreg $0x0  }
0xb0: {  	[dreg:$0x4] =	wrdreg $0x9  }
0xb1: {  	_ =	task.clear_ibuf [dreg:s6], $0x5FFFF;
	_ =	strace $0x90000049  }
0xb2: {  	s29 =	simm.s32 $0x9;
	_ =	strace $0x8000004B  }
0xb3: {  	_ =	swait.ge [sflag:s29], $0x1  }
0xb4: {  	[sflag:s29] =	ssyncadd.s32 $0xFFFFFFFF  }
0xb5: {  	_ =	strace $0x9000004B  }
0xb6: {  	_ =	sfence  }
0xb7: {  	s30 =	sld [smem:$0x0];
	_ =	sdelay $0x2  }
0xb8: {  	s31 =	sshll.u32 s1, $0xD;
	s1 =	sshrl.u32 s1, $0x2  }
0xb9: {  	s3 =	sand.u32 $0x4000, s31;
	s1 =	sadd.s32 s1, s30  }
0xba: {  	s0 =	sor.u32 s3, s0;
	s1 =	sshll.u32 s1, $0x11  }
0xbb: {  	s0 =	sor.u32 s1, s0  }
0xbc: {  	s0 =	sadd.s32 $0x8F2B, s0  }
0xbd: {  	[sflag:s0] =	ssyncadd.remote.s32 $0x1  }
0xbe: {  	_ =	sfence.sel $0xFFFF  }
0xbf: {  	[dreg:$0x0] =	wrdreg $0xFFFFFFFF;
	(pc) =	sbr.abs _section_cstart, $3  }
0xc0: {  	[dreg:$0x1] =	wrdreg $0xFFFFFFFF  }
0xc1: {  	_ =	task.clear_ibuf [dreg:s6], $0x2FFFF;
	_ =	strace $0x9FFFFFFF  }
0xc2: {  	(tm) =	ssettm $0x7FFFFFFF  }
0xc3: {  	_ =	shalt  }
tec
execute0_lowered:
.L_overlay_start_1:
0x0: {  	(tag) =	ssettag $0x1  }
0x1: {  	s0 =	rddreg [dreg:$0x0]  }
0x2: {  	s1 =	rddreg [dreg:$0x1]  }
0x3: {  	s2 =	srdreg.scid;
	s11 =	simm.s32 $0x0;
	s8 =	stileid.u32  }
0x4: {  	s12 =	simm.s32 $0x3;
	s13 =	simm.s32 $0x14000;
	s14 =	simm.s32 $0x15000  }
0x5: {  	s15 =	simm.s32 $0x50;
	s16 =	simm.s32 $0x16000;
	s18 =	simm.s32 $0x18800  }
0x6: {  	s19 =	simm.s32 $0x14100;
	s20 =	simm.s32 $0x1B000;
	s21 =	simm.s32 $0x1  }
0x7: {  	s22 =	simm.s32 $0x14180;
	s28 =	simm.s32 $0x15100;
	s29 =	simm.s32 $0x14280  }
0x8: {  	s30 =	simm.s32 $0x15180;
	s31 =	simm.s32 $0x14F00;
	s10 =	simm.s32 $0x15F80  }
0x9: {  	s2 =	sand.u32 $0x1, s2;
	[smem:$0x7FF] =	sst s11;
	s5 =	sshll.u32 s8, $0xC  }
0xa: {  	s7 =	smul.u32 $0x50000, s8;
	s9 =	sadd.s32 $0xA600, s0;
	s25 =	sshll.u32 s8, $0x6  }
0xb: {  	s3 =	sshll.u32 s2, $0x4;
	_ =	strace $0x8000004A;
	s5 =	sadd.s32 s5, s0  }
0xc: {  	[dreg:$0x4] =	wrdreg s9;
	s2 =	ssub.s32 $0x2, s2;
	s17 =	sor.u32 $0x1C03, s25  }
0xd: {  	s25 =	simm.s32 $0x2;
	s9 =	simm.s32 $0x15F00;
	s3 =	sor.u32 s8, s3  }
0xe: {  	s23 =	sshrl.u32 s2, $0x1;
	s7 =	sshrl.u32 s7, $0x2;
	s8 =	sadd.s32 $0x5CE00, s5  }
0xf: {  	s5 =	simm.s32 $0x15E80;
	[dreg:$0x5] =	wrdreg s17;
	s4 =	sshll.u32 s3, $0xC  }
0x10: {  	s3 =	smul.u32 $0x2800, s3;
	s2 =	ssub.s32 s2, s23;
	s24 =	sadd.s32 s7, s1  }
0x11: {  	s23 =	simm.s32 $0x1D800;
	s6 =	sadd.s32 s4, s0;
	s4 =	sadd.s32 $0xCE00, s0  }
0x12: {  	s26 =	smax.u32 s2, $0x1;
	s2 =	simm.s32 $0x14F80;
	s0 =	sadd.s32 s3, s0  }
0x13: {  	s7 =	sadd.s32 $0x6CE00, s6;
	[dreg:$0x7] =	wrdreg s26;
	s6 =	sshrl.u32 s24, $0x3  }
0x14: {  	s24 =	simm.s32 $0x15080;
	s0 =	sadd.s32 $0x8CE00, s0;
	[dreg:$0x8] =	wrdreg s6  }
0x15: {  	s26 =	simm.s32 $0x14200;
	[dreg:$0x6] =	wrdreg s0;
	s0 =	simm.s32 $0x15E00  }
.LBB2_1:
0x16: {  	[dreg:$0x3] =	wrdreg s11  }
0x17: {  	s3 =	rddreg [dreg:$0x4]  }
0x18: {  	[spmem:s6], [sflag:s17] =	dma.local [hbm:s3], $0x2800  }
0x19: {  	_ =	swait.ge [sflag:s12], $0x2800  }
0x1a: {  	[sflag:s12] =	ssyncset.done $0x0  }
0x1b: {  	[sflag:s12] =	ssyncadd.s32 $0xFFFFD800  }
0x1c: {  	s6 =	simm.s32 $0x0;
	[bflag:$0x0] =	sbarrier.arrive $0xFFFF  }
.LBB2_2:
0x1d: {  	s3 =	sshll.u32 s6, $0x9  }
0x1e: {  	s17 =	simm.s32 $0x0;
	s11 =	sadd.s32 s3, s7  }
0x1f: {  	[tilespmem:s13], [sflag:$0x3] =	stream.linear.gather [hbm4b:s11+s17], $0x1000, $0x38;
	v63 =	vld [tilespmem:$0x0]  }
0x20: {  	_ =	swait.ge [sflag:s12], $0x1000  }
0x21: {  	[sflag:s12] =	ssyncset.done $0x0  }
0x22: {  	s3 =	sadd.s32 s3, s8;
	[sflag:s12] =	ssyncadd.s32 $0xFFFFF000  }
0x23: {  	[tilespmem:s14], [sflag:$0x3] =	stream.linear.gather [hbm4b:s3+s17], $0x1000, $0x38;
	v63 =	vld [tilespmem:$0x0]  }
0x24: {  	_ =	swait.ge [sflag:s12], $0x1000  }
0x25: {  	[sflag:s12] =	ssyncset.done $0x0  }
0x26: {  	[sflag:s12] =	ssyncadd.s32 $0xFFFFF000  }
0x27: {  	[tilespmem:s16], [sflag:$0x1] =	stream.indirect.gather [hbm4b:s4+s15], $0x80, s13, s15, $0xb8;
	v63 =	vld [tilespmem:$0x0]  }
0x28: {  	s11 =	simm.s32 $0x14080  }
0x29: {  	[tilespmem:s18], [sflag:$0x1] =	stream.indirect.gather [hbm4b:s4+s15], $0x80, s11, s15, $0xb8;
	v63 =	vld [tilespmem:$0x0]  }
0x2a: {  	_ = 	snop  }
0x2b: {  	[tilespmem:s20], [sflag:$0x1] =	stream.indirect.gather [hbm4b:s4+s15], $0x80, s19, s15, $0xb8;
	v63 =	vld [tilespmem:$0x0]  }
0x2c: {  	_ =	swait.ge [sflag:s21], $0x2800  }
0x2d: {  	[sflag:s21] =	ssyncset.done $0x0  }
0x2e: {  	[sflag:s21] =	ssyncadd.s32 $0xFFFFD800  }
0x2f: {  	[spmem:s1] =	stream.indirect.scatter.add.f32 [tilespmem:s16], [sflag:$0x2], $0x80, s14, s15, $0xb8;
	v63 =	vld [tilespmem:$0x0]  }
0x30: {  	_ = 	snop  }
0x31: {  	[tilespmem:s23], [sflag:$0x1] =	stream.indirect.gather [hbm4b:s4+s15], $0x80, s22, s15, $0xb8;
	v63 =	vld [tilespmem:$0x0]  }
0x32: {  	_ =	swait.ge [sflag:s21], $0x2800  }
0x33: {  	[sflag:s21] =	ssyncset.done $0x0  }
0x34: {  	[sflag:s21] =	ssyncadd.s32 $0xFFFFD800  }
0x35: {  	[spmem:s1] =	stream.indirect.scatter.add.f32 [tilespmem:s18], [sflag:$0x2], $0x80, s24, s15, $0xb8;
	v63 =	vld [tilespmem:$0x0]  }
0x36: {  	_ =	swait.ge [sflag:s25], $0x2800  }
0x37: {  	[sflag:s25] =	ssyncset.done $0x0  }
0x38: {  	[sflag:s25] =	ssyncadd.s32 $0xFFFFD800  }
0x39: {  	[tilespmem:s16], [sflag:$0x1] =	stream.indirect.gather [hbm4b:s4+s15], $0x80, s26, s15, $0xb8;
	v63 =	vld [tilespmem:$0x0]  }
0x3a: {  	_ =	swait.ge [sflag:s21], $0x2800  }
0x3b: {  	[sflag:s21] =	ssyncset.done $0x0  }
0x3c: {  	[sflag:s21] =	ssyncadd.s32 $0xFFFFD800  }
0x3d: {  	[spmem:s1] =	stream.indirect.scatter.add.f32 [tilespmem:s20], [sflag:$0x2], $0x80, s28, s15, $0xb8;
	v63 =	vld [tilespmem:$0x0]  }
0x3e: {  	_ =	swait.ge [sflag:s25], $0x2800  }
0x3f: {  	[sflag:s25] =	ssyncset.done $0x0  }
0x40: {  	[sflag:s25] =	ssyncadd.s32 $0xFFFFD800  }
0x41: {  	[tilespmem:s18], [sflag:$0x1] =	stream.indirect.gather [hbm4b:s4+s15], $0x80, s29, s15, $0xb8;
	v63 =	vld [tilespmem:$0x0]  }
0x42: {  	_ =	swait.ge [sflag:s21], $0x2800  }
0x43: {  	[sflag:s21] =	ssyncset.done $0x0  }
0x44: {  	[sflag:s21] =	ssyncadd.s32 $0xFFFFD800  }
0x45: {  	[spmem:s1] =	stream.indirect.scatter.add.f32 [tilespmem:s23], [sflag:$0x2], $0x80, s30, s15, $0xb8;
	v63 =	vld [tilespmem:$0x0]  }
0x46: {  	_ =	swait.ge [sflag:s25], $0x2800  }
0x47: {  	[sflag:s25] =	ssyncset.done $0x0  }
0x48: {  	s17 =	simm.s32 $0x14300;
	[sflag:s25] =	ssyncadd.s32 $0xFFFFD800  }
0x49: {  	[tilespmem:s20], [sflag:$0x1] =	stream.indirect.gather [hbm4b:s4+s15], $0x80, s17, s15, $0xb8;
	v63 =	vld [tilespmem:$0x0]  }
0x4a: {  	_ =	swait.ge [sflag:s21], $0x2800  }
0x4b: {  	[sflag:s21] =	ssyncset.done $0x0  }
0x4c: {  	s11 =	simm.s32 $0x15200;
	[sflag:s21] =	ssyncadd.s32 $0xFFFFD800  }
0x4d: {  	[spmem:s1] =	stream.indirect.scatter.add.f32 [tilespmem:s16], [sflag:$0x2], $0x80, s11, s15, $0xb8;
	v63 =	vld [tilespmem:$0x0]  }
0x4e: {  	_ =	swait.ge [sflag:s25], $0x2800  }
0x4f: {  	[sflag:s25] =	ssyncset.done $0x0  }
0x50: {  	s17 =	simm.s32 $0x14380;
	[sflag:s25] =	ssyncadd.s32 $0xFFFFD800  }
0x51: {  	[tilespmem:s23], [sflag:$0x1] =	stream.indirect.gather [hbm4b:s4+s15], $0x80, s17, s15, $0xb8;
	v63 =	vld [tilespmem:$0x0]  }
0x52: {  	_ =	swait.ge [sflag:s21], $0x2800  }
0x53: {  	[sflag:s21] =	ssyncset.done $0x0  }
0x54: {  	s11 =	simm.s32 $0x15280;
	[sflag:s21] =	ssyncadd.s32 $0xFFFFD800  }
0x55: {  	[spmem:s1] =	stream.indirect.scatter.add.f32 [tilespmem:s18], [sflag:$0x2], $0x80, s11, s15, $0xb8;
	v63 =	vld [tilespmem:$0x0]  }
0x56: {  	_ =	swait.ge [sflag:s25], $0x2800  }
0x57: {  	[sflag:s25] =	ssyncset.done $0x0  }
0x58: {  	s17 =	simm.s32 $0x14400;
	[sflag:s25] =	ssyncadd.s32 $0xFFFFD800  }
0x59: {  	[tilespmem:s16], [sflag:$0x1] =	stream.indirect.gather [hbm4b:s4+s15], $0x80, s17, s15, $0xb8;
	v63 =	vld [tilespmem:$0x0]  }
0x5a: {  	_ =	swait.ge [sflag:s21], $0x2800  }
0x5b: {  	[sflag:s21] =	ssyncset.done $0x0  }
0x5c: {  	s11 =	simm.s32 $0x15300;
	[sflag:s21] =	ssyncadd.s32 $0xFFFFD800  }
0x5d: {  	[spmem:s1] =	stream.indirect.scatter.add.f32 [tilespmem:s20], [sflag:$0x2], $0x80, s11, s15, $0xb8;
	v63 =	vld [tilespmem:$0x0]  }
0x5e: {  	_ =	swait.ge [sflag:s25], $0x2800  }
0x5f: {  	[sflag:s25] =	ssyncset.done $0x0  }
0x60: {  	s17 =	simm.s32 $0x14480;
	[sflag:s25] =	ssyncadd.s32 $0xFFFFD800  }
0x61: {  	[tilespmem:s18], [sflag:$0x1] =	stream.indirect.gather [hbm4b:s4+s15], $0x80, s17, s15, $0xb8;
	v63 =	vld [tilespmem:$0x0]  }
0x62: {  	_ =	swait.ge [sflag:s21], $0x2800  }
0x63: {  	[sflag:s21] =	ssyncset.done $0x0  }
0x64: {  	s3 =	simm.s32 $0x15380;
	s11 =	simm.s32 $0x800;
	[sflag:s21] =	ssyncadd.s32 $0xFFFFD800  }
.LBB2_3:
0x65: {  	[spmem:s1] =	stream.indirect.scatter.add.f32 [tilespmem:s23], [sflag:$0x2], $0x80, s3, s15, $0xb8;
	v63 =	vld [tilespmem:$0x0]  }
0x66: {  	s3 =	smov.u32 s11  }
0x67: {  	p0 =	sne.s32 s11, $0x2800;
	s11 =	sadd.s32 $0x800, s11;
	_ =	swait.ge [sflag:s25], $0x2800  }
0x68: {  	s3 =	sshra.s32 s3, $0x2;
	[sflag:s25] =	ssyncset.done $0x0  }
0x69: {  	s17 =	sadd.s32 $0x14300, s3;
	[sflag:s25] =	ssyncadd.s32 $0xFFFFD800  }
0x6a: {  	[tilespmem:s20], [sflag:$0x1] =	stream.indirect.gather [hbm4b:s4+s15], $0x80, s17, s15, $0xb8;
	v63 =	vld [tilespmem:$0x0]  }
0x6b: {  	_ =	swait.ge [sflag:s21], $0x2800  }
0x6c: {  	[sflag:s21] =	ssyncset.done $0x0  }
0x6d: {  	s17 =	sadd.s32 $0x15200, s3;
	[sflag:s21] =	ssyncadd.s32 $0xFFFFD800  }
0x6e: {  	[spmem:s1] =	stream.indirect.scatter.add.f32 [tilespmem:s16], [sflag:$0x2], $0x80, s17, s15, $0xb8;
	v63 =	vld [tilespmem:$0x0]  }
0x6f: {  	_ =	swait.ge [sflag:s25], $0x2800  }
0x70: {  	[sflag:s25] =	ssyncset.done $0x0  }
0x71: {  	s17 =	sadd.s32 $0x14380, s3;
	[sflag:s25] =	ssyncadd.s32 $0xFFFFD800  }
0x72: {  	[tilespmem:s23], [sflag:$0x1] =	stream.indirect.gather [hbm4b:s4+s15], $0x80, s17, s15, $0xb8;
	v63 =	vld [tilespmem:$0x0]  }
0x73: {  	_ =	swait.ge [sflag:s21], $0x2800  }
0x74: {  	[sflag:s21] =	ssyncset.done $0x0  }
0x75: {  	s17 =	sadd.s32 $0x15280, s3;
	[sflag:s21] =	ssyncadd.s32 $0xFFFFD800  }
0x76: {  	[spmem:s1] =	stream.indirect.scatter.add.f32 [tilespmem:s18], [sflag:$0x2], $0x80, s17, s15, $0xb8;
	v63 =	vld [tilespmem:$0x0]  }
0x77: {  	_ =	swait.ge [sflag:s25], $0x2800  }
0x78: {  	[sflag:s25] =	ssyncset.done $0x0  }
0x79: {  	s17 =	sadd.s32 $0x14400, s3;
	[sflag:s25] =	ssyncadd.s32 $0xFFFFD800  }
0x7a: {  	[tilespmem:s16], [sflag:$0x1] =	stream.indirect.gather [hbm4b:s4+s15], $0x80, s17, s15, $0xb8;
	v63 =	vld [tilespmem:$0x0]  }
0x7b: {  	_ =	swait.ge [sflag:s21], $0x2800  }
0x7c: {  	[sflag:s21] =	ssyncset.done $0x0  }
0x7d: {  	s17 =	sadd.s32 $0x15300, s3;
	[sflag:s21] =	ssyncadd.s32 $0xFFFFD800  }
0x7e: {  	[spmem:s1] =	stream.indirect.scatter.add.f32 [tilespmem:s20], [sflag:$0x2], $0x80, s17, s15, $0xb8;
	v63 =	vld [tilespmem:$0x0]  }
0x7f: {  	_ =	swait.ge [sflag:s25], $0x2800  }
0x80: {  	[sflag:s25] =	ssyncset.done $0x0  }
.Ltmp0:
0x81: {  	s17 =	sadd.s32 $0x14480, s3;
	[sflag:s25] =	ssyncadd.s32 $0xFFFFD800;
	(pc) =	sbr.rel @p0 .LBB2_3-.Ltmp0, $4  }
0x82: {  	[tilespmem:s18], [sflag:$0x1] =	stream.indirect.gather [hbm4b:s4+s15], $0x80, s17, s15, $0xb8;
	v63 =	vld [tilespmem:$0x0]  }
0x83: {  	_ =	swait.ge [sflag:s21], $0x2800  }
0x84: {  	[sflag:s21] =	ssyncset.done $0x0  }
0x85: {  	s3 =	sadd.s32 $0x15380, s3;
	[sflag:s21] =	ssyncadd.s32 $0xFFFFD800  }
0x86: {  	[spmem:s1] =	stream.indirect.scatter.add.f32 [tilespmem:s23], [sflag:$0x2], $0x80, s3, s15, $0xb8;
	v63 =	vld [tilespmem:$0x0]  }
0x87: {  	_ =	swait.ge [sflag:s25], $0x2800  }
0x88: {  	[sflag:s25] =	ssyncset.done $0x0  }
0x89: {  	[sflag:s25] =	ssyncadd.s32 $0xFFFFD800  }
0x8a: {  	[tilespmem:s20], [sflag:$0x1] =	stream.indirect.gather [hbm4b:s4+s15], $0x80, s31, s15, $0xb8;
	v63 =	vld [tilespmem:$0x0]  }
0x8b: {  	_ =	swait.ge [sflag:s21], $0x2800  }
0x8c: {  	[sflag:s21] =	ssyncset.done $0x0  }
0x8d: {  	[sflag:s21] =	ssyncadd.s32 $0xFFFFD800  }
0x8e: {  	[spmem:s1] =	stream.indirect.scatter.add.f32 [tilespmem:s16], [sflag:$0x2], $0x80, s0, s15, $0xb8;
	v63 =	vld [tilespmem:$0x0]  }
0x8f: {  	_ =	swait.ge [sflag:s25], $0x2800  }
0x90: {  	[sflag:s25] =	ssyncset.done $0x0  }
0x91: {  	[sflag:s25] =	ssyncadd.s32 $0xFFFFD800  }
0x92: {  	[tilespmem:s23], [sflag:$0x1] =	stream.indirect.gather [hbm4b:s4+s15], $0x80, s2, s15, $0xb8;
	v63 =	vld [tilespmem:$0x0]  }
0x93: {  	_ =	swait.ge [sflag:s21], $0x2800  }
0x94: {  	[sflag:s21] =	ssyncset.done $0x0  }
0x95: {  	[sflag:s21] =	ssyncadd.s32 $0xFFFFD800  }
0x96: {  	[spmem:s1] =	stream.indirect.scatter.add.f32 [tilespmem:s18], [sflag:$0x2], $0x80, s5, s15, $0xb8;
	v63 =	vld [tilespmem:$0x0]  }
0x97: {  	_ =	swait.ge [sflag:s25], $0x2800  }
0x98: {  	[sflag:s25] =	ssyncset.done $0x0  }
0x99: {  	[sflag:s25] =	ssyncadd.s32 $0xFFFFD800  }
0x9a: {  	_ =	swait.ge [sflag:s21], $0x2800  }
0x9b: {  	[sflag:s21] =	ssyncset.done $0x0  }
0x9c: {  	[sflag:s21] =	ssyncadd.s32 $0xFFFFD800  }
0x9d: {  	[spmem:s1] =	stream.indirect.scatter.add.f32 [tilespmem:s20], [sflag:$0x2], $0x80, s9, s15, $0xb8;
	v63 =	vld [tilespmem:$0x0]  }
0x9e: {  	_ =	swait.ge [sflag:s25], $0x2800  }
0x9f: {  	[sflag:s25] =	ssyncset.done $0x0  }
0xa0: {  	[sflag:s25] =	ssyncadd.s32 $0xFFFFD800  }
0xa1: {  	_ =	swait.ge [sflag:s21], $0x2800  }
0xa2: {  	[sflag:s21] =	ssyncset.done $0x0  }
0xa3: {  	s6 =	sadd.s32 $0x1, s6;
	[sflag:s21] =	ssyncadd.s32 $0xFFFFD800  }
0xa4: {  	[spmem:s1] =	stream.indirect.scatter.add.f32 [tilespmem:s23], [sflag:$0x2], $0x80, s10, s15, $0xb8;
	v63 =	vld [tilespmem:$0x0]  }
0xa5: {  	p0 =	sne.s32 s6, $0x8;
	_ =	swait.ge [sflag:s25], $0x2800  }
.Ltmp1:
0xa6: {  	[sflag:s25] =	ssyncset.done $0x0;
	(pc) =	sbr.rel @p0 .LBB2_2-.Ltmp1, $4  }
0xa7: {  	[sflag:s25] =	ssyncadd.s32 $0xFFFFD800  }
0xa8: {  	_ =	swait.ge [sflag:s25], $0x2800  }
0xa9: {  	[sflag:s25] =	ssyncset.done $0x0  }
0xaa: {  	[sflag:s25] =	ssyncadd.s32 $0xFFFFD800  }
0xab: {  	[bflag:$0x0] =	sbarrier.arrive $0xFFFF  }
0xac: {  	s17 =	rddreg [dreg:$0x5]  }
0xad: {  	s3 =	rddreg [dreg:$0x6]  }
0xae: {  	s6 =	rddreg [dreg:$0x8]  }
0xaf: {  	[hbm:s3], [sflag:s17] =	dma.local [spmem:s6], $0x2800  }
0xb0: {  	_ =	swait.ge [sflag:s12], $0x2800  }
0xb1: {  	s11 =	rddreg [dreg:$0x3]  }
0xb2: {  	s3 =	rddreg [dreg:$0x7];
	s11 =	sadd.s32 $0x1, s11  }
0xb3: {  	p0 =	sne.s32 s11, s3  }
.Ltmp2:
0xb4: {  	_ = 	snop;
	(pc) =	sbr.rel @p0 .LBB2_1-.Ltmp2, $3  }
0xb5: {  	_ =	sdelay $0x1  }
0xb6: {  	[sflag:s12] =	ssyncset.done $0x0  }
0xb7: {  	[sflag:s12] =	ssyncadd.s32 $0xFFFFD800  }
0xb8: {  	_ =	sfence.sel $0x180000  }
0xb9: {  	[bflag:$0x0] =	sbarrier.arrive $0xFFFF  }
0xba: {  	_ =	strace $0x9000004A  }
0xbb: {  	s0 =	stileid.u32;
	[bflag:$0x2] =	sbarrier.arrive $0xFFFF  }
0xbc: {  	p0 =	sne.s32 s0, $0x0;
	s0 =	rddreg [dreg:$0x2]  }
0xbd: {  	s0 =	sadd.s32 @!p0 $0x100000, s0  }
0xbe: {  	[sflag:s0] =	ssyncadd.tile.s32 @!p0 $0x1;
	_ =	shalt  }
.Lfunc_end2:
_tile_overlayer_lowered:
.L_overlay_start_2:
0xbf: {  	(tag) =	ssettag $0x2  }
0xc0: {  	s0 =	rddreg [dreg:$0x0];
	s2 =	stileid.u32  }
0xc1: {  	s1 =	rddreg [dreg:$0x1];
	p0 =	sne.s32 s2, $0x0  }
0xc2: {  	s3 =	rddreg [dreg:$0x2];
	[bflag:$0x3] =	sbarrier.arrive $0xFFFF;
	s2 =	simm.s32 @!p0 $0x1C03  }
0xc3: {  	[timem:s3], [sflag:s2] =	dma.local @!p0 [hbm:s0], s1  }
0xc4: {  	s0 =	simm.s32 @!p0 $0x3  }
0xc5: {  	_ =	swait.ge @!p0 [sflag:s0], s1  }
0xc6: {  	s1 =	ssub.s32 @!p0 $0x0, s1;
	[sflag:s0] =	ssyncset.done @!p0 $0x0  }
0xc7: {  	[sflag:s0] =	ssyncadd.s32 @!p0 s1  }
0xc8: {  	[bflag:$0x3] =	sbarrier.arrive $0xFFFF  }
0xc9: {  	_ =	shalt  }

// kernel: deg.3.cloned.1.call-start
scs
__scs_entry_jumppad:
0x0: {  	(pc) =	sbr.rel $0x88, $3  }
0x1: {  	(tag) =	ssettag $0x0;
	lr =	simm.s32 $0x1  }
0x2: {  	[smem:$0x3F99] =	sst lr;
	_ =	strace $0xD0000000  }
0x3: {  	_ = 	snop  }
0x4: {  	_ = 	snop  }
0x5: {  	_ = 	snop  }
0x6: {  	_ = 	snop  }
0x7: {  	_ = 	snop  }
__scs_overlays_trampoline_lowered:
0x8: {  	[smem:$0x3FA8] =	sst s0  }
0x9: {  	[smem:$0x3FA9] =	sst s1  }
0xa: {  	[smem:$0x3FAA] =	sst s2  }
0xb: {  	[smem:$0x3FAB] =	sst s3  }
0xc: {  	[smem:$0x3FAC] =	sst s4  }
0xd: {  	[smem:$0x3FAD] =	sst s5  }
0xe: {  	[smem:$0x3FAE] =	sst s6  }
0xf: {  	[smem:$0x3FAF] =	sst s7  }
0x10: {  	[smem:$0x3FB0] =	sst s8  }
0x11: {  	[smem:$0x3FB1] =	sst s9;
	s0 =	simm.s32 @!p0 $0x0  }
0x12: {  	s1 =	sld [smem:$0x3F97];
	s0 =	simm.s32 @p0 $0x1  }
0x13: {  	[smem:$0x3FB2] =	sst s0;
	s0 =	simm.s32 @!p1 $0x0  }
0x14: {  	s2 =	sld [smem:$0x3F96];
	s0 =	simm.s32 @p1 $0x1  }
0x15: {  	[smem:$0x3FB3] =	sst s0;
	s0 =	simm.s32 @!p2 $0x0  }
0x16: {  	s3 =	sld [smem:$0x3FDB];
	s0 =	simm.s32 @p2 $0x1  }
0x17: {  	s4 =	simm.s32 $0x1BF5;
	[smem:$0x3FB5] =	sst s0  }
0x18: {  	s0 =	sld [smem:$0x3F98];
	_ =	swait.ge [sflag:s4], $0x0  }
0x19: {  	s7 =	sld [smem:$0x3F99]  }
0x1a: {  	s8 =	sadd.s32 $0xFFFFE003, lr  }
0x1b: {  	s9 =	sadd.s32 $0xFFFFFEF7, lr;
	s5 =	simm.s32 $0xFFFFFFFF;
	p2 =	slt.u32 s8, $0xFFFFF086  }
0x1c: {  	p1 =	slt.u32 s9, $0xF7A;
	s5 =	simm.s32 @!p2 $0x0  }
0x1d: {  	s5 =	simm.s32 @p1 $0x1;
	p0 =	seq.s32 s7, s2  }
0x1e: {  	s7 =	smul.u32 @!p0 $0xF7A, s2;
	p2 =	seq.s32 @!p0 s5, $0x0  }
0x1f: {  	s9 =	smul.u32 $0xF7A, s1;
	s8 =	simm.s32 @!p0 $0x1BF5;
	p2 =	por !p2, p0  }
0x20: {  	[sflag:s8] =	ssyncset.s32 @!p0 $0xFFFFF086;
	s6 =	sadd.s32 @!p0 s3, s7;
	s7 =	simm.s32 @!p0 $0x108  }
0x21: {  	s3 =	sadd.s32 s3, s9;
	s6 =	sadd.s32 @!p0 $0x88, s6;
	s7 =	simm.s32 @p2 $0x1082  }
0x22: {  	[simem:s7], [sflag:s8] =	dma.local @!p0 [hbm:s6], $0xF7A  }
0x23: {  	s9 =	sor.u32 $0xD0000000, s2;
	s6 =	simm.s32 $0x108;
	_ =	swait.ge @!p0 [sflag:s8], $0x0  }
0x24: {  	s3 =	sadd.s32 $0x88, s3;
	s6 =	simm.s32 @!p1 $0x1082;
	[sflag:s4] =	ssyncset.s32 $0xFFFFF086  }
0x25: {  	[simem:s6], [sflag:s4] =	dma.local [hbm:s3], $0xF7A  }
0x26: {  	[smem:$0x3F99] =	sst s1;
	(tag) =	ssettag s2;
	_ =	strace s9  }
0x27: {  	s1 =	sld [smem:$0x3FA9]  }
0x28: {  	s2 =	sld [smem:$0x3FAA]  }
0x29: {  	s4 =	sld [smem:$0x3FAC]  }
0x2a: {  	p0 =	seq.s32 s5, $0x0;
	s5 =	sld [smem:$0x3FAD]  }
0x2b: {  	s6 =	sld [smem:$0x3FAE]  }
0x2c: {  	s7 =	sld [smem:$0x3FAF]  }
0x2d: {  	s3 =	simm.s32 $0x108;
	s8 =	sld [smem:$0x3FB0]  }
0x2e: {  	s3 =	simm.s32 @!p0 $0x1082;
	s9 =	sld [smem:$0x3FB1]  }
0x2f: {  	lr =	sadd.s32 s0, s3;
	s0 =	sld [smem:$0x3FA8]  }
0x30: {  	s3 =	sld [smem:$0x3FAB]  }
0x31: {  	[smem:$0x3FB4] =	sst s10  }
0x32: {  	s10 =	sld [smem:$0x3FB2];
	_ =	sdelay $0x3  }
0x33: {  	p0 =	seq.s32 s10, $0x1;
	s10 =	sld [smem:$0x3FB4];
	_ =	sdelay $0x3  }
0x34: {  	[smem:$0x3FB4] =	sst s10  }
0x35: {  	s10 =	sld [smem:$0x3FB3];
	_ =	sdelay $0x3  }
0x36: {  	p1 =	seq.s32 s10, $0x1;
	s10 =	sld [smem:$0x3FB4];
	_ =	sdelay $0x3  }
0x37: {  	[smem:$0x3FB4] =	sst s10  }
0x38: {  	s10 =	sld [smem:$0x3FB5]  }
0x39: {  	_ = 	snop;
	(pc) =	sbr.ind lr, $3  }
0x3a: {  	_ = 	snop  }
0x3b: {  	_ = 	snop  }
0x3c: {  	p2 =	seq.s32 s10, $0x1;
	s10 =	sld [smem:$0x3FB4]  }
0x3d: {  	_ =	shalt  }
0x3e: {  	_ =	shalt  }
0x3f: {  	_ =	shalt  }
0x40: {  	_ =	shalt  }
0x41: {  	_ =	shalt  }
0x42: {  	_ =	shalt  }
0x43: {  	_ =	shalt  }
0x44: {  	_ =	shalt  }
0x45: {  	_ =	shalt  }
0x46: {  	_ =	shalt  }
0x47: {  	_ =	shalt  }
0x48: {  	_ =	shalt  }
0x49: {  	_ =	shalt  }
0x4a: {  	_ =	shalt  }
0x4b: {  	_ =	shalt  }
0x4c: {  	_ =	shalt  }
0x4d: {  	_ =	shalt  }
0x4e: {  	_ =	shalt  }
0x4f: {  	_ =	shalt  }
0x50: {  	_ =	shalt  }
0x51: {  	_ =	shalt  }
0x52: {  	_ =	shalt  }
0x53: {  	_ =	shalt  }
0x54: {  	_ =	shalt  }
0x55: {  	_ =	shalt  }
0x56: {  	_ =	shalt  }
0x57: {  	_ =	shalt  }
0x58: {  	_ =	shalt  }
0x59: {  	_ =	shalt  }
0x5a: {  	_ =	shalt  }
0x5b: {  	_ =	shalt  }
0x5c: {  	_ =	shalt  }
0x5d: {  	_ =	shalt  }
0x5e: {  	_ =	shalt  }
0x5f: {  	_ =	shalt  }
0x60: {  	_ =	shalt  }
0x61: {  	_ =	shalt  }
0x62: {  	_ =	shalt  }
0x63: {  	_ =	shalt  }
0x64: {  	_ =	shalt  }
0x65: {  	_ =	shalt  }
0x66: {  	_ =	shalt  }
0x67: {  	_ =	shalt  }
0x68: {  	_ =	shalt  }
0x69: {  	_ =	shalt  }
0x6a: {  	_ =	shalt  }
0x6b: {  	_ =	shalt  }
0x6c: {  	_ =	shalt  }
0x6d: {  	_ =	shalt  }
0x6e: {  	_ =	shalt  }
0x6f: {  	_ =	shalt  }
0x70: {  	_ =	shalt  }
0x71: {  	_ =	shalt  }
0x72: {  	_ =	shalt  }
0x73: {  	_ =	shalt  }
0x74: {  	_ =	shalt  }
0x75: {  	_ =	shalt  }
0x76: {  	_ =	shalt  }
0x77: {  	_ =	shalt  }
0x78: {  	_ =	shalt  }
0x79: {  	_ =	shalt  }
0x7a: {  	_ =	shalt  }
0x7b: {  	_ =	shalt  }
0x7c: {  	_ =	shalt  }
0x7d: {  	_ =	shalt  }
0x7e: {  	_ =	shalt  }
0x7f: {  	_ =	shalt  }
0x80: {  	_ =	shalt  }
0x81: {  	_ =	shalt  }
0x82: {  	_ =	shalt  }
0x83: {  	_ =	shalt  }
0x84: {  	_ =	shalt  }
0x85: {  	_ =	shalt  }
0x86: {  	_ =	shalt  }
0x87: {  	_ =	shalt  }
.Lfunc_end0:
.L_simem_size_0:
called_computation_lowered:
.L_overlay_start_0:
0x88: {  	s2 =	sld [smem:$0x3FD9]  }
0x89: {  	s3 =	sld [smem:$0x3FFE];
	_ =	sdelay $0x1  }
0x8a: {  	s1 =	srdreg.scid  }
0x8b: {  	s0 =	sand.u32 $0x1, s1  }
0x8c: {  	s17 =	sshll.u32 s0, $0xA;
	s2 =	sadd.s32 s3, s2  }
0x8d: {  	s2 =	sadd.s32 s2, s17  }
0x8e: {  	[smem:$0x3FC0] =	sst s2  }
0x8f: {  	_ = 	snop  }
0x90: {  	s2 =	sld [smem:$0x3FD0];
	(tm) =	ssettm $0x1  }
0x91: {  	s18 =	sld [smem:$0x3FFB];
	_ =	sdelay $0x3  }
0x92: {  	_ =	strace s18  }
0x93: {  	s3 =	sld [smem:$0x3FFC];
	_ =	sdelay $0x3  }
0x94: {  	_ =	strace s3  }
0x95: {  	s3 =	sld [smem:$0x3FFD];
	_ =	sdelay $0x3  }
0x96: {  	_ =	strace s3  }
0x97: {  	_ =	strace $0x8FFFFFFF  }
0x98: {  	s19 =	sld [smem:$0x3FDB];
	_ =	sdelay $0x1  }
0x99: {  	s4 =	simm.s32 $_scs_section_size  }
0x9a: {  	s5 =	simm.s32 $_size__tile_overlayer_lowered;
	s6 =	simm.s32 $_tile_overlayer_lowered  }
0x9b: {  	s22 =	simm.s32 $0x1BFF;
	s21 =	sshll.u32 s6, $0x1;
	s3 =	sadd.s32 s4, s19  }
0x9c: {  	s7 =	simm.s32 $0x0;
	s20 =	sshll.u32 s5, $0x1;
	s5 =	sadd.s32 s21, s3  }
0x9d: {  	[timem:s7], [sflag:s22] =	dma.local [hbm:s5], s20  }
0x9e: {  	_ =	swait.ge [sflag:s22], s20  }
0x9f: {  	s4 =	ssub.s32 $0x0, s20;
	[sflag:s22] =	ssyncset.done $0x0  }
0xa0: {  	[sflag:s22] =	ssyncadd.s32 s4;
	_ =	sdelay $0x1  }
0xa1: {  	s23 =	simm.s32 $0x1B8B  }
0xa2: {  	_ =	swait.ge [sflag:s23], $0x1  }
0xa3: {  	[sflag:s23] =	ssyncset.done $0x0  }
0xa4: {  	s25 =	simm.s32 $0x1B8E;
	s24 =	sld [smem:$0x3FFE];
	[sflag:s23] =	ssyncadd.s32 $0xFFFFFFFF  }
0xa5: {  	s26 =	simm.s32 $execute0_lowered;
	[smem:$0x3FD2] =	sst s25  }
0xa6: {  	s5 =	sshll.u32 s26, $0x1;
	_ =	strace $0x80000046;
	[dreg:$0x1] =	wrdreg $0xFFFFFFFF  }
0xa7: {  	s28 =	simm.s32 $_size_execute0_lowered;
	s3 =	sadd.s32 s3, s5;
	[dreg:$0x0] =	wrdreg $0x0  }
0xa8: {  	s5 =	sshll.u32 s28, $0x1;
	[dreg:$0x2] =	wrdreg s3  }
0xa9: {  	[dreg:$0x3] =	wrdreg s5  }
0xaa: {  	[dreg:$0x4] =	wrdreg $0xC0  }
0xab: {  	_ =	task [dreg:s7], $0x5FFFF  }
0xac: {  	[dreg:$0x1] =	wrdreg $0xFFFFFFFF  }
0xad: {  	[dreg:$0x0] =	wrdreg $0x60  }
0xae: {  	[dreg:$0x2] =	wrdreg s24  }
0xaf: {  	[dreg:$0x3] =	wrdreg s2  }
0xb0: {  	[dreg:$0x4] =	wrdreg $0x0  }
0xb1: {  	[dreg:$0x5] =	wrdreg $0x9  }
0xb2: {  	_ =	task.clear_ibuf [dreg:s7], $0x6FFFF;
	_ =	strace $0x90000046  }
0xb3: {  	s29 =	simm.s32 $0x9;
	_ =	strace $0x80000048  }
0xb4: {  	_ =	swait.ge [sflag:s29], $0x1  }
0xb5: {  	[sflag:s29] =	ssyncadd.s32 $0xFFFFFFFF  }
0xb6: {  	_ =	strace $0x90000048  }
0xb7: {  	_ =	sfence  }
0xb8: {  	s30 =	sld [smem:$0x0];
	_ =	sdelay $0x2  }
0xb9: {  	s31 =	sshll.u32 s1, $0xD;
	s1 =	sshrl.u32 s1, $0x2  }
0xba: {  	s3 =	sand.u32 $0x4000, s31;
	s1 =	sadd.s32 s1, s30  }
0xbb: {  	s0 =	sor.u32 s3, s0;
	s1 =	sshll.u32 s1, $0x11  }
0xbc: {  	s0 =	sor.u32 s1, s0  }
0xbd: {  	s0 =	sadd.s32 $0x8F2B, s0  }
0xbe: {  	[sflag:s0] =	ssyncadd.remote.s32 $0x1  }
0xbf: {  	_ =	sfence.sel $0xFFFF  }
0xc0: {  	[dreg:$0x0] =	wrdreg $0xFFFFFFFF;
	(pc) =	sbr.abs _section_cstart, $3  }
0xc1: {  	[dreg:$0x1] =	wrdreg $0xFFFFFFFF  }
0xc2: {  	_ =	task.clear_ibuf [dreg:s7], $0x2FFFF;
	_ =	strace $0x9FFFFFFF  }
0xc3: {  	(tm) =	ssettm $0x7FFFFFFF  }
tec
execute0_lowered:
.L_overlay_start_1:
0x0: {  	(tag) =	ssettag $0x1  }
0x1: {  	s6 =	rddreg [dreg:$0x0]  }
0x2: {  	s2 =	rddreg [dreg:$0x1]  }
0x3: {  	s0 =	srdreg.scid;
	s3 =	rddreg [dreg:$0x2]  }
0x4: {  	s4 =	simm.s32 $0x0;
	s13 =	simm.s32 $0x14000;
	s14 =	simm.s32 $0x80  }
0x5: {  	s15 =	simm.s32 $0x0;
	s7 =	sand.u32 $0x1, s0;
	s0 =	stileid.u32  }
0x6: {  	[smem:$0x7FF] =	sst s4;
	s1 =	sshll.u32 s7, $0x4;
	s10 =	smul.u32 $0x50000, s0  }
0x7: {  	s31 =	ssub.s32 $0x2, s7;
	s11 =	sshll.u32 s0, $0x6;
	s5 =	sor.u32 s0, s1  }
0x8: {  	s1 =	rddreg [dreg:$0x3];
	_ =	strace $0x80000047;
	s8 =	smul.u32 $0x500, s5  }
0x9: {  	s7 =	sshrl.u32 s31, $0x1;
	s9 =	smul.u32 $0x2800, s5;
	s10 =	sshrl.u32 s10, $0x2  }
0xa: {  	s5 =	sadd.s32 $0xA600, s6;
	s12 =	ssub.s32 s31, s7;
	s10 =	sadd.s32 s10, s3  }
0xb: {  	s8 =	sadd.s32 s8, s6;
	s9 =	sadd.s32 s9, s6;
	s6 =	sor.u32 $0x1C01, s11  }
0xc: {  	s10 =	sshrl.u32 s10, $0x3;
	s11 =	simm.s32 $0x1;
	s7 =	sadd.s32 $0x600, s8  }
0xd: {  	s8 =	sadd.s32 $0xCE00, s9;
	s9 =	smax.u32 s12, $0x1;
	s12 =	simm.s32 $0x16800  }
.LBB2_1:
0xe: {  	[spmem:s10], [sflag:s6] =	dma.local [hbm:s5], $0x2800  }
0xf: {  	_ =	swait.ge [sflag:s11], $0x2800  }
0x10: {  	[sflag:s11] =	ssyncset.done $0x0  }
0x11: {  	[sflag:s11] =	ssyncadd.s32 $0xFFFFD800  }
0x12: {  	[tilespmem:s12], [sflag:$0x1] =	stream.linear.gather [hbm4b:s2+s4], $0x4000, $0x38;
	[tilespmem:$0x1A800] =	vst v63  }
0x13: {  	_ =	swait.ge [sflag:s11], $0x4000  }
0x14: {  	[sflag:s11] =	ssyncset.done $0x0  }
0x15: {  	[sflag:s11] =	ssyncadd.s32 $0xFFFFC000  }
0x16: {  	[tilespmem:s13], [sflag:$0x1] =	stream.linear.gather [hbm4b:s7+s4], $0x2800, $0x38;
	[tilespmem:$0x1A800] =	vst v63  }
0x17: {  	_ =	swait.ge [sflag:s11], $0x2800  }
0x18: {  	[sflag:s11] =	ssyncset.done $0x0  }
0x19: {  	[sflag:s11] =	ssyncadd.s32 $0xFFFFD800  }
0x1a: {  	s16 =	simm.s32 $0x14000;
	[bflag:$0x0] =	sbarrier.arrive $0xFFFF  }
0x1b: {  	[spmem:s3] =	stream.indirect.scatter.add.f32 [tilespmem:s12], [sflag:$0x1], $0x80, s16, s14, $0xb8;
	[tilespmem:$0x1A800] =	vst v63  }
0x1c: {  	s16 =	simm.s32 $0x200;
	_ =	swait.ge [sflag:s11], $0x4000  }
.LBB2_2:
0x1d: {  	s17 =	sshra.s32 s16, $0x2;
	[sflag:s11] =	ssyncset.done $0x0;
	p0 =	sne.s32 s16, $0x9E00  }
.Ltmp0:
0x1e: {  	s17 =	sadd.s32 $0x14000, s17;
	[sflag:s11] =	ssyncadd.s32 $0xFFFFC000;
	(pc) =	sbr.rel @p0 .LBB2_2-.Ltmp0, $3  }
0x1f: {  	[spmem:s3] =	stream.indirect.scatter.add.f32 [tilespmem:s12], [sflag:$0x1], $0x80, s17, s14, $0xb8;
	[tilespmem:$0x1A800] =	vst v63  }
0x20: {  	s16 =	sadd.s32 $0x200, s16;
	_ =	sdelay $0x1  }
0x21: {  	_ =	swait.ge [sflag:s11], $0x4000  }
0x22: {  	[sflag:s11] =	ssyncset.done $0x0;
	s15 =	sadd.s32 $0x1, s15  }
0x23: {  	[sflag:s11] =	ssyncadd.s32 $0xFFFFC000;
	p0 =	sne.s32 s15, s9  }
.Ltmp1:
0x24: {  	[bflag:$0x0] =	sbarrier.arrive $0xFFFF;
	(pc) =	sbr.rel @p0 .LBB2_1-.Ltmp1, $4  }
0x25: {  	[hbm:s8], [sflag:s6] =	dma.local [spmem:s10], $0x2800  }
0x26: {  	_ =	swait.ge [sflag:s11], $0x2800  }
0x27: {  	[sflag:s11] =	ssyncset.done $0x0  }
0x28: {  	[sflag:s11] =	ssyncadd.s32 $0xFFFFD800  }
0x29: {  	_ =	sfence.sel $0x180000  }
0x2a: {  	[bflag:$0x0] =	sbarrier.arrive $0xFFFF  }
0x2b: {  	p0 =	sne.s32 s0, $0x0;
	_ =	strace $0x90000047  }
0x2c: {  	s0 =	sadd.s32 @!p0 $0x100000, s1;
	[bflag:$0x2] =	sbarrier.arrive $0xFFFF  }
0x2d: {  	[sflag:s0] =	ssyncadd.tile.s32 @!p0 $0x1;
	_ =	shalt  }
.Lfunc_end2:
_tile_overlayer_lowered:
.L_overlay_start_2:
0x2e: {  	(tag) =	ssettag $0x2  }
0x2f: {  	s0 =	rddreg [dreg:$0x0];
	s2 =	stileid.u32  }
0x30: {  	s1 =	rddreg [dreg:$0x1];
	p0 =	sne.s32 s2, $0x0  }
0x31: {  	s3 =	rddreg [dreg:$0x2];
	[bflag:$0x3] =	sbarrier.arrive $0xFFFF;
	s2 =	simm.s32 @!p0 $0x1C01  }
0x32: {  	[timem:s3], [sflag:s2] =	dma.local @!p0 [hbm:s0], s1  }
0x33: {  	s0 =	simm.s32 @!p0 $0x1  }
0x34: {  	_ =	swait.ge @!p0 [sflag:s0], s1  }
0x35: {  	s1 =	ssub.s32 @!p0 $0x0, s1;
	[sflag:s0] =	ssyncset.done @!p0 $0x0  }
0x36: {  	[sflag:s0] =	ssyncadd.s32 @!p0 s1  }
0x37: {  	[bflag:$0x3] =	sbarrier.arrive $0xFFFF  }
0x38: {  	_ =	shalt  }

</sc_bundles>
